<compile_context>
chip_gen: v7x
topology: tpu7x:2x2x1
jax: 0.10.2.dev20260603
libtpu: 0.0.44.dev20260713+nightly
codegen_flags: <defaults>
</compile_context>

<pallas_src>
import functools

import jax
import jax.numpy as jnp
from jax import lax
from jax.experimental import pallas as pl
from jax.experimental.pallas import tpu as pltpu
from jax.experimental.pallas import tpu_sc as plsc

VOCAB = 100000
EMBED_DIM = 32
BATCH = 1024



@functools.cache
def _make_sc_gather(B):
    info = plsc.get_sparse_core_info()
    nc, ns, L = info.num_cores, info.num_subcores, info.num_lanes
    nw = nc * ns
    assert nw == EMBED_DIM
    mesh = plsc.VectorSubcoreMesh(core_axis_name="c", subcore_axis_name="s")

    @functools.partial(
        pl.kernel,
        mesh=mesh,
        out_type=jax.ShapeDtypeStruct((EMBED_DIM, B), jnp.float32),
        scratch_types=[
            pltpu.VMEM((VOCAB,), jnp.float32),
            pltpu.VMEM((B,), jnp.int32),
            pltpu.VMEM((B,), jnp.float32),
            pltpu.SemaphoreType.DMA,
            pltpu.SemaphoreType.DMA,
        ],
        compiler_params=pltpu.CompilerParams(needs_layout_passes=False),
    )
    def gather_kernel(idx_hbm, tablet_hbm, out_hbm, row_v, idx_v, xrow_v,
                      sem_i, sem_a):
        d = lax.axis_index("s") * nc + lax.axis_index("c")
        ci = pltpu.async_copy(idx_hbm, idx_v, sem_i)
        ca = pltpu.async_copy(tablet_hbm.at[d], row_v, sem_a)
        ci.wait(); ca.wait()
        for c in range(B // L):
            sl = pl.ds(c * L, L)
            xrow_v[sl] = plsc.load_gather(row_v, [idx_v[sl]])
        pltpu.sync_copy(xrow_v, out_hbm.at[d])

    return gather_kernel



_BV = 2048
_VBLK = pl.cdiv(VOCAB, _BV)
_TAIL = VOCAB - (_VBLK - 1) * _BV
_NBUF = 3


def _proj_body(wt_ref, xt_ref, b_ref, out_hbm, scratch, sems):
    i = pl.program_id(0)
    buf = lax.rem(i, _NBUF)

    @pl.when(i >= _NBUF)
    def _wait_buffer_free():
        pltpu.make_async_copy(
            scratch.at[buf],
            out_hbm.at[pl.ds((i - _NBUF) * _BV, _BV), :],
            sems.at[buf],
        ).wait()

    acc = lax.dot_general(
        wt_ref[...], xt_ref[...],
        dimension_numbers=(((0,), (0,)), ((), ())),
        preferred_element_type=jnp.float32,
    )
    bias = lax.broadcast_in_dim(b_ref[...], (_BV, BATCH), (0,))
    scratch[buf] = acc + bias

    @pl.when(i < _VBLK - 1)
    def _start_full():
        pltpu.make_async_copy(
            scratch.at[buf],
            out_hbm.at[pl.ds(i * _BV, _BV), :],
            sems.at[buf],
        ).start()

    @pl.when(i == _VBLK - 1)
    def _start_tail_and_drain():
        pltpu.make_async_copy(
            scratch.at[buf, pl.ds(0, _TAIL), :],
            out_hbm.at[pl.ds((_VBLK - 1) * _BV, _TAIL), :],
            sems.at[buf],
        ).start()
        for s in range(_VBLK - _NBUF, _VBLK):
            bs = s % _NBUF
            if s == _VBLK - 1:
                pltpu.make_async_copy(
                    scratch.at[bs, pl.ds(0, _TAIL), :],
                    out_hbm.at[pl.ds(s * _BV, _TAIL), :],
                    sems.at[bs],
                ).wait()
            else:
                pltpu.make_async_copy(
                    scratch.at[bs],
                    out_hbm.at[pl.ds(s * _BV, _BV), :],
                    sems.at[bs],
                ).wait()


def _projection(xt, W, b):
    out_t = pl.pallas_call(
        _proj_body,
        grid=(_VBLK,),
        in_specs=[
            pl.BlockSpec((EMBED_DIM, _BV), lambda i: (0, i)),
            pl.BlockSpec((EMBED_DIM, BATCH), lambda i: (0, 0)),
            pl.BlockSpec((_BV,), lambda i: (i,)),
        ],
        out_specs=pl.BlockSpec(memory_space=pltpu.MemorySpace.HBM),
        out_shape=jax.ShapeDtypeStruct((VOCAB, BATCH), jnp.float32),
        scratch_shapes=[
            pltpu.VMEM((_NBUF, _BV, BATCH), jnp.float32),
            pltpu.SemaphoreType.DMA((_NBUF,)),
        ],
        compiler_params=pltpu.CompilerParams(
            dimension_semantics=("arbitrary",),
            vmem_limit_bytes=63 * 1024 * 1024,
        ),
    )(W.T, xt, b)
    return out_t.T


def kernel(input_idx, emb_table, W, b):
    idx = input_idx.astype(jnp.int32)
    xt = _make_sc_gather(BATCH)(idx, emb_table.T)
    return _projection(xt, W, b)

# --- scband reference (transcript-rebuilt; emitter-appended) ---
"""Pipeline reference for scband-simple-skip-gram-58196806861079 (READ-ONLY COPY).

The authoritative reference and input builder live on the scoring server;
editing this copy changes nothing except your own understanding.
"""

import jax, jax.numpy as jnp
import numpy as np

VOCAB = 100000
EMBED_DIM = 32
BATCH = 1024

def setup_inputs(seed: int = 0) -> dict:
    key = jax.random.key(seed)
    k1, k2, k3, k4 = jax.random.split(key, 4)
    input_idx = jax.random.randint(k1, (BATCH,), 0, VOCAB, dtype=jnp.int64 if jax.config.jax_enable_x64 else jnp.int32)
    emb_table = jax.random.normal(k2, (VOCAB, EMBED_DIM), dtype=jnp.float32)
    # torch nn.Linear(embedding_dim, vocabulary_size): weight [V, D], bias [V]
    W = jax.random.normal(k3, (VOCAB, EMBED_DIM), dtype=jnp.float32) * (1.0 / np.sqrt(EMBED_DIM))
    b = jax.random.normal(k4, (VOCAB,), dtype=jnp.float32) * 0.01
    return {"input_idx": input_idx, "emb_table": emb_table, "W": W, "b": b}

def reference(input_idx, emb_table, W, b):
    # embedding lookup (gather)
    input_embeddings = jnp.take(emb_table, input_idx, axis=0)  # [B, D]
    # linear projection to vocab logits
    output_logits = input_embeddings @ W.T + b  # [B, V]
    return output_logits

if __name__ == "__main__":
    import jax
    _d = setup_inputs()
    print(jax.jit(kernel)(*tuple(_d.values())))

</pallas_src>

<mosaic_0001>
#map = affine_map<(d0, d1) -> (0)>
#map1 = affine_map<(d0, d1) -> (0, 0)>
module attributes {stable_mosaic.version = 14 : i64} {
  func.func @gather_kernel(%arg0: i32, %arg1: i32, %arg2: memref<1024xi32, #tpu.memory_space<hbm>>, %arg3: memref<32x100000xf32, #tpu.memory_space<hbm>>, %arg4: memref<32x1024xf32, #tpu.memory_space<hbm>>, %arg5: memref<100000xf32, #tpu.memory_space<vmem>>, %arg6: memref<1024xi32, #tpu.memory_space<vmem>>, %arg7: memref<1024xf32, #tpu.memory_space<vmem>>, %arg8: memref<!tpu.dma_semaphore, #tpu.memory_space<semaphore_mem>>, %arg9: memref<!tpu.dma_semaphore, #tpu.memory_space<semaphore_mem>>) attributes {dimension_semantics = [#tpu.dimension_semantics<core_parallel>, #tpu.dimension_semantics<subcore_parallel>], iteration_bounds = array<i64: 2, 16>, scalar_prefetch = 0 : i64, scratch_operands = 5 : i64, tpu.core_type = #tpu.core_type<sc_vector_subcore>, window_params = [{transform_indices = #map}, {transform_indices = #map1}, {transform_indices = #map1}]} {
    %mul3A = arith.constant 2 : i32
    %mul3A_0 = arith.muli %arg1, %mul3A : i32
    %add3A = arith.addi %mul3A_0, %arg0 : i32
    tpu.enqueue_dma source(%arg2 : memref<1024xi32, #tpu.memory_space<hbm>>) target(%arg6 : memref<1024xi32, #tpu.memory_space<vmem>>) target_semaphore(%arg8 : memref<!tpu.dma_semaphore, #tpu.memory_space<semaphore_mem>>)
    %dma_start3A = arith.constant 0 : i32
    %dma_start3A_1 = tpu.memref_slice %arg3[%add3A, %dma_start3A] : memref<32x100000xf32, #tpu.memory_space<hbm>> -> memref<1x100000xf32, #tpu.memory_space<hbm>>
    %dma_start3A_2 = tpu.memref_squeeze %dma_start3A_1 : memref<1x100000xf32, #tpu.memory_space<hbm>> -> memref<100000xf32, #tpu.memory_space<hbm>>
    %dma_start3A_3 = arith.constant 0 : i32
    %dma_start3A_4 = tpu.memref_slice %arg3[%add3A, %dma_start3A_3] : memref<32x100000xf32, #tpu.memory_space<hbm>> -> memref<1x100000xf32, #tpu.memory_space<hbm>>
    %dma_start3A_5 = tpu.memref_squeeze %dma_start3A_4 : memref<1x100000xf32, #tpu.memory_space<hbm>> -> memref<100000xf32, #tpu.memory_space<hbm>>
    tpu.enqueue_dma source(%dma_start3A_5 : memref<100000xf32, #tpu.memory_space<hbm>>) target(%arg5 : memref<100000xf32, #tpu.memory_space<vmem>>) target_semaphore(%arg9 : memref<!tpu.dma_semaphore, #tpu.memory_space<semaphore_mem>>)
    tpu.wait_dma2 semaphore(%arg8 : memref<!tpu.dma_semaphore, #tpu.memory_space<semaphore_mem>>) src(%arg2 : memref<1024xi32, #tpu.memory_space<hbm>>) dst(%arg6 : memref<1024xi32, #tpu.memory_space<vmem>>)
    %dma_wait3A = arith.constant 0 : i32
    %dma_wait3A_6 = tpu.memref_slice %arg3[%add3A, %dma_wait3A] : memref<32x100000xf32, #tpu.memory_space<hbm>> -> memref<1x100000xf32, #tpu.memory_space<hbm>>
    %dma_wait3A_7 = tpu.memref_squeeze %dma_wait3A_6 : memref<1x100000xf32, #tpu.memory_space<hbm>> -> memref<100000xf32, #tpu.memory_space<hbm>>
    %dma_wait3A_8 = arith.constant 0 : i32
    %dma_wait3A_9 = tpu.memref_slice %arg3[%add3A, %dma_wait3A_8] : memref<32x100000xf32, #tpu.memory_space<hbm>> -> memref<1x100000xf32, #tpu.memory_space<hbm>>
    %dma_wait3A_10 = tpu.memref_squeeze %dma_wait3A_9 : memref<1x100000xf32, #tpu.memory_space<hbm>> -> memref<100000xf32, #tpu.memory_space<hbm>>
    tpu.wait_dma2 semaphore(%arg9 : memref<!tpu.dma_semaphore, #tpu.memory_space<semaphore_mem>>) src(%dma_wait3A_10 : memref<100000xf32, #tpu.memory_space<hbm>>) dst(%arg5 : memref<100000xf32, #tpu.memory_space<vmem>>)
    %get3A = arith.constant 0 : index
    %get3A_11 = tpu.vector_load %arg6[%get3A] {strides = array<i32>} : memref<1024xi32, #tpu.memory_space<vmem>>, vector<16xi32>,
    %gather3A = tpu.vector_load_idx %arg5[%get3A_11] : memref<100000xf32, #tpu.memory_space<vmem>>[vector<16xi32>], vector<16xf32>,
    %swap3A = arith.constant 0 : index
    %swap3A_12 = tpu.vector_load %arg7[%swap3A] {strides = array<i32>} : memref<1024xf32, #tpu.memory_space<vmem>>, vector<16xf32>,
    tpu.vector_store %arg7[%swap3A], %gather3A {strides = array<i32>} : memref<1024xf32, #tpu.memory_space<vmem>>, vector<16xf32>,
    %get3A_13 = arith.constant 16 : index
    %get3A_14 = tpu.vector_load %arg6[%get3A_13] {strides = array<i32>} : memref<1024xi32, #tpu.memory_space<vmem>>, vector<16xi32>,
    %gather3A_15 = tpu.vector_load_idx %arg5[%get3A_14] : memref<100000xf32, #tpu.memory_space<vmem>>[vector<16xi32>], vector<16xf32>,
    %swap3A_16 = arith.constant 16 : index
    %swap3A_17 = tpu.vector_load %arg7[%swap3A_16] {strides = array<i32>} : memref<1024xf32, #tpu.memory_space<vmem>>, vector<16xf32>,
    tpu.vector_store %arg7[%swap3A_16], %gather3A_15 {strides = array<i32>} : memref<1024xf32, #tpu.memory_space<vmem>>, vector<16xf32>,
    %get3A_18 = arith.constant 32 : index
    %get3A_19 = tpu.vector_load %arg6[%get3A_18] {strides = array<i32>} : memref<1024xi32, #tpu.memory_space<vmem>>, vector<16xi32>,
    %gather3A_20 = tpu.vector_load_idx %arg5[%get3A_19] : memref<100000xf32, #tpu.memory_space<vmem>>[vector<16xi32>], vector<16xf32>,
    %swap3A_21 = arith.constant 32 : index
    %swap3A_22 = tpu.vector_load %arg7[%swap3A_21] {strides = array<i32>} : memref<1024xf32, #tpu.memory_space<vmem>>, vector<16xf32>,
    tpu.vector_store %arg7[%swap3A_21], %gather3A_20 {strides = array<i32>} : memref<1024xf32, #tpu.memory_space<vmem>>, vector<16xf32>,
    %get3A_23 = arith.constant 48 : index
    %get3A_24 = tpu.vector_load %arg6[%get3A_23] {strides = array<i32>} : memref<1024xi32, #tpu.memory_space<vmem>>, vector<16xi32>,
    %gather3A_25 = tpu.vector_load_idx %arg5[%get3A_24] : memref<100000xf32, #tpu.memory_space<vmem>>[vector<16xi32>], vector<16xf32>,
    %swap3A_26 = arith.constant 48 : index
    %swap3A_27 = tpu.vector_load %arg7[%swap3A_26] {strides = array<i32>} : memref<1024xf32, #tpu.memory_space<vmem>>, vector<16xf32>,
    tpu.vector_store %arg7[%swap3A_26], %gather3A_25 {strides = array<i32>} : memref<1024xf32, #tpu.memory_space<vmem>>, vector<16xf32>,
    %get3A_28 = arith.constant 64 : index
    %get3A_29 = tpu.vector_load %arg6[%get3A_28] {strides = array<i32>} : memref<1024xi32, #tpu.memory_space<vmem>>, vector<16xi32>,
    %gather3A_30 = tpu.vector_load_idx %arg5[%get3A_29] : memref<100000xf32, #tpu.memory_space<vmem>>[vector<16xi32>], vector<16xf32>,
    %swap3A_31 = arith.constant 64 : index
    %swap3A_32 = tpu.vector_load %arg7[%swap3A_31] {strides = array<i32>} : memref<1024xf32, #tpu.memory_space<vmem>>, vector<16xf32>,
    tpu.vector_store %arg7[%swap3A_31], %gather3A_30 {strides = array<i32>} : memref<1024xf32, #tpu.memory_space<vmem>>, vector<16xf32>,
    %get3A_33 = arith.constant 80 : index
    %get3A_34 = tpu.vector_load %arg6[%get3A_33] {strides = array<i32>} : memref<1024xi32, #tpu.memory_space<vmem>>, vector<16xi32>,
    %gather3A_35 = tpu.vector_load_idx %arg5[%get3A_34] : memref<100000xf32, #tpu.memory_space<vmem>>[vector<16xi32>], vector<16xf32>,
    %swap3A_36 = arith.constant 80 : index
    %swap3A_37 = tpu.vector_load %arg7[%swap3A_36] {strides = array<i32>} : memref<1024xf32, #tpu.memory_space<vmem>>, vector<16xf32>,
    tpu.vector_store %arg7[%swap3A_36], %gather3A_35 {strides = array<i32>} : memref<1024xf32, #tpu.memory_space<vmem>>, vector<16xf32>,
    %get3A_38 = arith.constant 96 : index
    %get3A_39 = tpu.vector_load %arg6[%get3A_38] {strides = array<i32>} : memref<1024xi32, #tpu.memory_space<vmem>>, vector<16xi32>,
    %gather3A_40 = tpu.vector_load_idx %arg5[%get3A_39] : memref<100000xf32, #tpu.memory_space<vmem>>[vector<16xi32>], vector<16xf32>,
    %swap3A_41 = arith.constant 96 : index
    %swap3A_42 = tpu.vector_load %arg7[%swap3A_41] {strides = array<i32>} : memref<1024xf32, #tpu.memory_space<vmem>>, vector<16xf32>,
    tpu.vector_store %arg7[%swap3A_41], %gather3A_40 {strides = array<i32>} : memref<1024xf32, #tpu.memory_space<vmem>>, vector<16xf32>,
    %get3A_43 = arith.constant 112 : index
    %get3A_44 = tpu.vector_load %arg6[%get3A_43] {strides = array<i32>} : memref<1024xi32, #tpu.memory_space<vmem>>, vector<16xi32>,
    %gather3A_45 = tpu.vector_load_idx %arg5[%get3A_44] : memref<100000xf32, #tpu.memory_space<vmem>>[vector<16xi32>], vector<16xf32>,
    %swap3A_46 = arith.constant 112 : index
    %swap3A_47 = tpu.vector_load %arg7[%swap3A_46] {strides = array<i32>} : memref<1024xf32, #tpu.memory_space<vmem>>, vector<16xf32>,
    tpu.vector_store %arg7[%swap3A_46], %gather3A_45 {strides = array<i32>} : memref<1024xf32, #tpu.memory_space<vmem>>, vector<16xf32>,
    %get3A_48 = arith.constant 128 : index
    %get3A_49 = tpu.vector_load %arg6[%get3A_48] {strides = array<i32>} : memref<1024xi32, #tpu.memory_space<vmem>>, vector<16xi32>,
    %gather3A_50 = tpu.vector_load_idx %arg5[%get3A_49] : memref<100000xf32, #tpu.memory_space<vmem>>[vector<16xi32>], vector<16xf32>,
    %swap3A_51 = arith.constant 128 : index
    %swap3A_52 = tpu.vector_load %arg7[%swap3A_51] {strides = array<i32>} : memref<1024xf32, #tpu.memory_space<vmem>>, vector<16xf32>,
    tpu.vector_store %arg7[%swap3A_51], %gather3A_50 {strides = array<i32>} : memref<1024xf32, #tpu.memory_space<vmem>>, vector<16xf32>,
    %get3A_53 = arith.constant 144 : index
    %get3A_54 = tpu.vector_load %arg6[%get3A_53] {strides = array<i32>} : memref<1024xi32, #tpu.memory_space<vmem>>, vector<16xi32>,
    %gather3A_55 = tpu.vector_load_idx %arg5[%get3A_54] : memref<100000xf32, #tpu.memory_space<vmem>>[vector<16xi32>], vector<16xf32>,
    %swap3A_56 = arith.constant 144 : index
    %swap3A_57 = tpu.vector_load %arg7[%swap3A_56] {strides = array<i32>} : memref<1024xf32, #tpu.memory_space<vmem>>, vector<16xf32>,
    tpu.vector_store %arg7[%swap3A_56], %gather3A_55 {strides = array<i32>} : memref<1024xf32, #tpu.memory_space<vmem>>, vector<16xf32>,
    %get3A_58 = arith.constant 160 : index
    %get3A_59 = tpu.vector_load %arg6[%get3A_58] {strides = array<i32>} : memref<1024xi32, #tpu.memory_space<vmem>>, vector<16xi32>,
    %gather3A_60 = tpu.vector_load_idx %arg5[%get3A_59] : memref<100000xf32, #tpu.memory_space<vmem>>[vector<16xi32>], vector<16xf32>,
    %swap3A_61 = arith.constant 160 : index
    %swap3A_62 = tpu.vector_load %arg7[%swap3A_61] {strides = array<i32>} : memref<1024xf32, #tpu.memory_space<vmem>>, vector<16xf32>,
    tpu.vector_store %arg7[%swap3A_61], %gather3A_60 {strides = array<i32>} : memref<1024xf32, #tpu.memory_space<vmem>>, vector<16xf32>,
    %get3A_63 = arith.constant 176 : index
    %get3A_64 = tpu.vector_load %arg6[%get3A_63] {strides = array<i32>} : memref<1024xi32, #tpu.memory_space<vmem>>, vector<16xi32>,
    %gather3A_65 = tpu.vector_load_idx %arg5[%get3A_64] : memref<100000xf32, #tpu.memory_space<vmem>>[vector<16xi32>], vector<16xf32>,
    %swap3A_66 = arith.constant 176 : index
    %swap3A_67 = tpu.vector_load %arg7[%swap3A_66] {strides = array<i32>} : memref<1024xf32, #tpu.memory_space<vmem>>, vector<16xf32>,
    tpu.vector_store %arg7[%swap3A_66], %gather3A_65 {strides = array<i32>} : memref<1024xf32, #tpu.memory_space<vmem>>, vector<16xf32>,
    %get3A_68 = arith.constant 192 : index
    %get3A_69 = tpu.vector_load %arg6[%get3A_68] {strides = array<i32>} : memref<1024xi32, #tpu.memory_space<vmem>>, vector<16xi32>,
    %gather3A_70 = tpu.vector_load_idx %arg5[%get3A_69] : memref<100000xf32, #tpu.memory_space<vmem>>[vector<16xi32>], vector<16xf32>,
    %swap3A_71 = arith.constant 192 : index
    %swap3A_72 = tpu.vector_load %arg7[%swap3A_71] {strides = array<i32>} : memref<1024xf32, #tpu.memory_space<vmem>>, vector<16xf32>,
    tpu.vector_store %arg7[%swap3A_71], %gather3A_70 {strides = array<i32>} : memref<1024xf32, #tpu.memory_space<vmem>>, vector<16xf32>,
    %get3A_73 = arith.constant 208 : index
    %get3A_74 = tpu.vector_load %arg6[%get3A_73] {strides = array<i32>} : memref<1024xi32, #tpu.memory_space<vmem>>, vector<16xi32>,
    %gather3A_75 = tpu.vector_load_idx %arg5[%get3A_74] : memref<100000xf32, #tpu.memory_space<vmem>>[vector<16xi32>], vector<16xf32>,
    %swap3A_76 = arith.constant 208 : index
    %swap3A_77 = tpu.vector_load %arg7[%swap3A_76] {strides = array<i32>} : memref<1024xf32, #tpu.memory_space<vmem>>, vector<16xf32>,
    tpu.vector_store %arg7[%swap3A_76], %gather3A_75 {strides = array<i32>} : memref<1024xf32, #tpu.memory_space<vmem>>, vector<16xf32>,
    %get3A_78 = arith.constant 224 : index
    %get3A_79 = tpu.vector_load %arg6[%get3A_78] {strides = array<i32>} : memref<1024xi32, #tpu.memory_space<vmem>>, vector<16xi32>,
    %gather3A_80 = tpu.vector_load_idx %arg5[%get3A_79] : memref<100000xf32, #tpu.memory_space<vmem>>[vector<16xi32>], vector<16xf32>,
    %swap3A_81 = arith.constant 224 : index
    %swap3A_82 = tpu.vector_load %arg7[%swap3A_81] {strides = array<i32>} : memref<1024xf32, #tpu.memory_space<vmem>>, vector<16xf32>,
    tpu.vector_store %arg7[%swap3A_81], %gather3A_80 {strides = array<i32>} : memref<1024xf32, #tpu.memory_space<vmem>>, vector<16xf32>,
    %get3A_83 = arith.constant 240 : index
    %get3A_84 = tpu.vector_load %arg6[%get3A_83] {strides = array<i32>} : memref<1024xi32, #tpu.memory_space<vmem>>, vector<16xi32>,
    %gather3A_85 = tpu.vector_load_idx %arg5[%get3A_84] : memref<100000xf32, #tpu.memory_space<vmem>>[vector<16xi32>], vector<16xf32>,
    %swap3A_86 = arith.constant 240 : index
    %swap3A_87 = tpu.vector_load %arg7[%swap3A_86] {strides = array<i32>} : memref<1024xf32, #tpu.memory_space<vmem>>, vector<16xf32>,
    tpu.vector_store %arg7[%swap3A_86], %gather3A_85 {strides = array<i32>} : memref<1024xf32, #tpu.memory_space<vmem>>, vector<16xf32>,
    %get3A_88 = arith.constant 256 : index
    %get3A_89 = tpu.vector_load %arg6[%get3A_88] {strides = array<i32>} : memref<1024xi32, #tpu.memory_space<vmem>>, vector<16xi32>,
    %gather3A_90 = tpu.vector_load_idx %arg5[%get3A_89] : memref<100000xf32, #tpu.memory_space<vmem>>[vector<16xi32>], vector<16xf32>,
    %swap3A_91 = arith.constant 256 : index
    %swap3A_92 = tpu.vector_load %arg7[%swap3A_91] {strides = array<i32>} : memref<1024xf32, #tpu.memory_space<vmem>>, vector<16xf32>,
    tpu.vector_store %arg7[%swap3A_91], %gather3A_90 {strides = array<i32>} : memref<1024xf32, #tpu.memory_space<vmem>>, vector<16xf32>,
    %get3A_93 = arith.constant 272 : index
    %get3A_94 = tpu.vector_load %arg6[%get3A_93] {strides = array<i32>} : memref<1024xi32, #tpu.memory_space<vmem>>, vector<16xi32>,
    %gather3A_95 = tpu.vector_load_idx %arg5[%get3A_94] : memref<100000xf32, #tpu.memory_space<vmem>>[vector<16xi32>], vector<16xf32>,
    %swap3A_96 = arith.constant 272 : index
    %swap3A_97 = tpu.vector_load %arg7[%swap3A_96] {strides = array<i32>} : memref<1024xf32, #tpu.memory_space<vmem>>, vector<16xf32>,
    tpu.vector_store %arg7[%swap3A_96], %gather3A_95 {strides = array<i32>} : memref<1024xf32, #tpu.memory_space<vmem>>, vector<16xf32>,
    %get3A_98 = arith.constant 288 : index
    %get3A_99 = tpu.vector_load %arg6[%get3A_98] {strides = array<i32>} : memref<1024xi32, #tpu.memory_space<vmem>>, vector<16xi32>,
    %gather3A_100 = tpu.vector_load_idx %arg5[%get3A_99] : memref<100000xf32, #tpu.memory_space<vmem>>[vector<16xi32>], vector<16xf32>,
    %swap3A_101 = arith.constant 288 : index
    %swap3A_102 = tpu.vector_load %arg7[%swap3A_101] {strides = array<i32>} : memref<1024xf32, #tpu.memory_space<vmem>>, vector<16xf32>,
    tpu.vector_store %arg7[%swap3A_101], %gather3A_100 {strides = array<i32>} : memref<1024xf32, #tpu.memory_space<vmem>>, vector<16xf32>,
    %get3A_103 = arith.constant 304 : index
    %get3A_104 = tpu.vector_load %arg6[%get3A_103] {strides = array<i32>} : memref<1024xi32, #tpu.memory_space<vmem>>, vector<16xi32>,
    %gather3A_105 = tpu.vector_load_idx %arg5[%get3A_104] : memref<100000xf32, #tpu.memory_space<vmem>>[vector<16xi32>], vector<16xf32>,
    %swap3A_106 = arith.constant 304 : index
    %swap3A_107 = tpu.vector_load %arg7[%swap3A_106] {strides = array<i32>} : memref<1024xf32, #tpu.memory_space<vmem>>, vector<16xf32>,
    tpu.vector_store %arg7[%swap3A_106], %gather3A_105 {strides = array<i32>} : memref<1024xf32, #tpu.memory_space<vmem>>, vector<16xf32>,
    %get3A_108 = arith.constant 320 : index
    %get3A_109 = tpu.vector_load %arg6[%get3A_108] {strides = array<i32>} : memref<1024xi32, #tpu.memory_space<vmem>>, vector<16xi32>,
    %gather3A_110 = tpu.vector_load_idx %arg5[%get3A_109] : memref<100000xf32, #tpu.memory_space<vmem>>[vector<16xi32>], vector<16xf32>,
    %swap3A_111 = arith.constant 320 : index
    %swap3A_112 = tpu.vector_load %arg7[%swap3A_111] {strides = array<i32>} : memref<1024xf32, #tpu.memory_space<vmem>>, vector<16xf32>,
    tpu.vector_store %arg7[%swap3A_111], %gather3A_110 {strides = array<i32>} : memref<1024xf32, #tpu.memory_space<vmem>>, vector<16xf32>,
    %get3A_113 = arith.constant 336 : index
    %get3A_114 = tpu.vector_load %arg6[%get3A_113] {strides = array<i32>} : memref<1024xi32, #tpu.memory_space<vmem>>, vector<16xi32>,
    %gather3A_115 = tpu.vector_load_idx %arg5[%get3A_114] : memref<100000xf32, #tpu.memory_space<vmem>>[vector<16xi32>], vector<16xf32>,
    %swap3A_116 = arith.constant 336 : index
    %swap3A_117 = tpu.vector_load %arg7[%swap3A_116] {strides = array<i32>} : memref<1024xf32, #tpu.memory_space<vmem>>, vector<16xf32>,
    tpu.vector_store %arg7[%swap3A_116], %gather3A_115 {strides = array<i32>} : memref<1024xf32, #tpu.memory_space<vmem>>, vector<16xf32>,
    %get3A_118 = arith.constant 352 : index
    %get3A_119 = tpu.vector_load %arg6[%get3A_118] {strides = array<i32>} : memref<1024xi32, #tpu.memory_space<vmem>>, vector<16xi32>,
    %gather3A_120 = tpu.vector_load_idx %arg5[%get3A_119] : memref<100000xf32, #tpu.memory_space<vmem>>[vector<16xi32>], vector<16xf32>,
    %swap3A_121 = arith.constant 352 : index
    %swap3A_122 = tpu.vector_load %arg7[%swap3A_121] {strides = array<i32>} : memref<1024xf32, #tpu.memory_space<vmem>>, vector<16xf32>,
    tpu.vector_store %arg7[%swap3A_121], %gather3A_120 {strides = array<i32>} : memref<1024xf32, #tpu.memory_space<vmem>>, vector<16xf32>,
    %get3A_123 = arith.constant 368 : index
    %get3A_124 = tpu.vector_load %arg6[%get3A_123] {strides = array<i32>} : memref<1024xi32, #tpu.memory_space<vmem>>, vector<16xi32>,
    %gather3A_125 = tpu.vector_load_idx %arg5[%get3A_124] : memref<100000xf32, #tpu.memory_space<vmem>>[vector<16xi32>], vector<16xf32>,
    %swap3A_126 = arith.constant 368 : index
    %swap3A_127 = tpu.vector_load %arg7[%swap3A_126] {strides = array<i32>} : memref<1024xf32, #tpu.memory_space<vmem>>, vector<16xf32>,
    tpu.vector_store %arg7[%swap3A_126], %gather3A_125 {strides = array<i32>} : memref<1024xf32, #tpu.memory_space<vmem>>, vector<16xf32>,
    %get3A_128 = arith.constant 384 : index
    %get3A_129 = tpu.vector_load %arg6[%get3A_128] {strides = array<i32>} : memref<1024xi32, #tpu.memory_space<vmem>>, vector<16xi32>,
    %gather3A_130 = tpu.vector_load_idx %arg5[%get3A_129] : memref<100000xf32, #tpu.memory_space<vmem>>[vector<16xi32>], vector<16xf32>,
    %swap3A_131 = arith.constant 384 : index
    %swap3A_132 = tpu.vector_load %arg7[%swap3A_131] {strides = array<i32>} : memref<1024xf32, #tpu.memory_space<vmem>>, vector<16xf32>,
    tpu.vector_store %arg7[%swap3A_131], %gather3A_130 {strides = array<i32>} : memref<1024xf32, #tpu.memory_space<vmem>>, vector<16xf32>,
    %get3A_133 = arith.constant 400 : index
    %get3A_134 = tpu.vector_load %arg6[%get3A_133] {strides = array<i32>} : memref<1024xi32, #tpu.memory_space<vmem>>, vector<16xi32>,
    %gather3A_135 = tpu.vector_load_idx %arg5[%get3A_134] : memref<100000xf32, #tpu.memory_space<vmem>>[vector<16xi32>], vector<16xf32>,
    %swap3A_136 = arith.constant 400 : index
    %swap3A_137 = tpu.vector_load %arg7[%swap3A_136] {strides = array<i32>} : memref<1024xf32, #tpu.memory_space<vmem>>, vector<16xf32>,
    tpu.vector_store %arg7[%swap3A_136], %gather3A_135 {strides = array<i32>} : memref<1024xf32, #tpu.memory_space<vmem>>, vector<16xf32>,
    %get3A_138 = arith.constant 416 : index
    %get3A_139 = tpu.vector_load %arg6[%get3A_138] {strides = array<i32>} : memref<1024xi32, #tpu.memory_space<vmem>>, vector<16xi32>,
    %gather3A_140 = tpu.vector_load_idx %arg5[%get3A_139] : memref<100000xf32, #tpu.memory_space<vmem>>[vector<16xi32>], vector<16xf32>,
    %swap3A_141 = arith.constant 416 : index
    %swap3A_142 = tpu.vector_load %arg7[%swap3A_141] {strides = array<i32>} : memref<1024xf32, #tpu.memory_space<vmem>>, vector<16xf32>,
    tpu.vector_store %arg7[%swap3A_141], %gather3A_140 {strides = array<i32>} : memref<1024xf32, #tpu.memory_space<vmem>>, vector<16xf32>,
    %get3A_143 = arith.constant 432 : index
    %get3A_144 = tpu.vector_load %arg6[%get3A_143] {strides = array<i32>} : memref<1024xi32, #tpu.memory_space<vmem>>, vector<16xi32>,
    %gather3A_145 = tpu.vector_load_idx %arg5[%get3A_144] : memref<100000xf32, #tpu.memory_space<vmem>>[vector<16xi32>], vector<16xf32>,
    %swap3A_146 = arith.constant 432 : index
    %swap3A_147 = tpu.vector_load %arg7[%swap3A_146] {strides = array<i32>} : memref<1024xf32, #tpu.memory_space<vmem>>, vector<16xf32>,
    tpu.vector_store %arg7[%swap3A_146], %gather3A_145 {strides = array<i32>} : memref<1024xf32, #tpu.memory_space<vmem>>, vector<16xf32>,
    %get3A_148 = arith.constant 448 : index
    %get3A_149 = tpu.vector_load %arg6[%get3A_148] {strides = array<i32>} : memref<1024xi32, #tpu.memory_space<vmem>>, vector<16xi32>,
    %gather3A_150 = tpu.vector_load_idx %arg5[%get3A_149] : memref<100000xf32, #tpu.memory_space<vmem>>[vector<16xi32>], vector<16xf32>,
    %swap3A_151 = arith.constant 448 : index
    %swap3A_152 = tpu.vector_load %arg7[%swap3A_151] {strides = array<i32>} : memref<1024xf32, #tpu.memory_space<vmem>>, vector<16xf32>,
    tpu.vector_store %arg7[%swap3A_151], %gather3A_150 {strides = array<i32>} : memref<1024xf32, #tpu.memory_space<vmem>>, vector<16xf32>,
    %get3A_153 = arith.constant 464 : index
    %get3A_154 = tpu.vector_load %arg6[%get3A_153] {strides = array<i32>} : memref<1024xi32, #tpu.memory_space<vmem>>, vector<16xi32>,
    %gather3A_155 = tpu.vector_load_idx %arg5[%get3A_154] : memref<100000xf32, #tpu.memory_space<vmem>>[vector<16xi32>], vector<16xf32>,
    %swap3A_156 = arith.constant 464 : index
    %swap3A_157 = tpu.vector_load %arg7[%swap3A_156] {strides = array<i32>} : memref<1024xf32, #tpu.memory_space<vmem>>, vector<16xf32>,
    tpu.vector_store %arg7[%swap3A_156], %gather3A_155 {strides = array<i32>} : memref<1024xf32, #tpu.memory_space<vmem>>, vector<16xf32>,
    %get3A_158 = arith.constant 480 : index
    %get3A_159 = tpu.vector_load %arg6[%get3A_158] {strides = array<i32>} : memref<1024xi32, #tpu.memory_space<vmem>>, vector<16xi32>,
    %gather3A_160 = tpu.vector_load_idx %arg5[%get3A_159] : memref<100000xf32, #tpu.memory_space<vmem>>[vector<16xi32>], vector<16xf32>,
    %swap3A_161 = arith.constant 480 : index
    %swap3A_162 = tpu.vector_load %arg7[%swap3A_161] {strides = array<i32>} : memref<1024xf32, #tpu.memory_space<vmem>>, vector<16xf32>,
    tpu.vector_store %arg7[%swap3A_161], %gather3A_160 {strides = array<i32>} : memref<1024xf32, #tpu.memory_space<vmem>>, vector<16xf32>,
    %get3A_163 = arith.constant 496 : index
    %get3A_164 = tpu.vector_load %arg6[%get3A_163] {strides = array<i32>} : memref<1024xi32, #tpu.memory_space<vmem>>, vector<16xi32>,
    %gather3A_165 = tpu.vector_load_idx %arg5[%get3A_164] : memref<100000xf32, #tpu.memory_space<vmem>>[vector<16xi32>], vector<16xf32>,
    %swap3A_166 = arith.constant 496 : index
    %swap3A_167 = tpu.vector_load %arg7[%swap3A_166] {strides = array<i32>} : memref<1024xf32, #tpu.memory_space<vmem>>, vector<16xf32>,
    tpu.vector_store %arg7[%swap3A_166], %gather3A_165 {strides = array<i32>} : memref<1024xf32, #tpu.memory_space<vmem>>, vector<16xf32>,
    %get3A_168 = arith.constant 512 : index
    %get3A_169 = tpu.vector_load %arg6[%get3A_168] {strides = array<i32>} : memref<1024xi32, #tpu.memory_space<vmem>>, vector<16xi32>,
    %gather3A_170 = tpu.vector_load_idx %arg5[%get3A_169] : memref<100000xf32, #tpu.memory_space<vmem>>[vector<16xi32>], vector<16xf32>,
    %swap3A_171 = arith.constant 512 : index
    %swap3A_172 = tpu.vector_load %arg7[%swap3A_171] {strides = array<i32>} : memref<1024xf32, #tpu.memory_space<vmem>>, vector<16xf32>,
    tpu.vector_store %arg7[%swap3A_171], %gather3A_170 {strides = array<i32>} : memref<1024xf32, #tpu.memory_space<vmem>>, vector<16xf32>,
    %get3A_173 = arith.constant 528 : index
    %get3A_174 = tpu.vector_load %arg6[%get3A_173] {strides = array<i32>} : memref<1024xi32, #tpu.memory_space<vmem>>, vector<16xi32>,
    %gather3A_175 = tpu.vector_load_idx %arg5[%get3A_174] : memref<100000xf32, #tpu.memory_space<vmem>>[vector<16xi32>], vector<16xf32>,
    %swap3A_176 = arith.constant 528 : index
    %swap3A_177 = tpu.vector_load %arg7[%swap3A_176] {strides = array<i32>} : memref<1024xf32, #tpu.memory_space<vmem>>, vector<16xf32>,
    tpu.vector_store %arg7[%swap3A_176], %gather3A_175 {strides = array<i32>} : memref<1024xf32, #tpu.memory_space<vmem>>, vector<16xf32>,
    %get3A_178 = arith.constant 544 : index
    %get3A_179 = tpu.vector_load %arg6[%get3A_178] {strides = array<i32>} : memref<1024xi32, #tpu.memory_space<vmem>>, vector<16xi32>,
    %gather3A_180 = tpu.vector_load_idx %arg5[%get3A_179] : memref<100000xf32, #tpu.memory_space<vmem>>[vector<16xi32>], vector<16xf32>,
    %swap3A_181 = arith.constant 544 : index
    %swap3A_182 = tpu.vector_load %arg7[%swap3A_181] {strides = array<i32>} : memref<1024xf32, #tpu.memory_space<vmem>>, vector<16xf32>,
    tpu.vector_store %arg7[%swap3A_181], %gather3A_180 {strides = array<i32>} : memref<1024xf32, #tpu.memory_space<vmem>>, vector<16xf32>,
    %get3A_183 = arith.constant 560 : index
    %get3A_184 = tpu.vector_load %arg6[%get3A_183] {strides = array<i32>} : memref<1024xi32, #tpu.memory_space<vmem>>, vector<16xi32>,
    %gather3A_185 = tpu.vector_load_idx %arg5[%get3A_184] : memref<100000xf32, #tpu.memory_space<vmem>>[vector<16xi32>], vector<16xf32>,
    %swap3A_186 = arith.constant 560 : index
    %swap3A_187 = tpu.vector_load %arg7[%swap3A_186] {strides = array<i32>} : memref<1024xf32, #tpu.memory_space<vmem>>, vector<16xf32>,
    tpu.vector_store %arg7[%swap3A_186], %gather3A_185 {strides = array<i32>} : memref<1024xf32, #tpu.memory_space<vmem>>, vector<16xf32>,
    %get3A_188 = arith.constant 576 : index
    %get3A_189 = tpu.vector_load %arg6[%get3A_188] {strides = array<i32>} : memref<1024xi32, #tpu.memory_space<vmem>>, vector<16xi32>,
    %gather3A_190 = tpu.vector_load_idx %arg5[%get3A_189] : memref<100000xf32, #tpu.memory_space<vmem>>[vector<16xi32>], vector<16xf32>,
    %swap3A_191 = arith.constant 576 : index
    %swap3A_192 = tpu.vector_load %arg7[%swap3A_191] {strides = array<i32>} : memref<1024xf32, #tpu.memory_space<vmem>>, vector<16xf32>,
    tpu.vector_store %arg7[%swap3A_191], %gather3A_190 {strides = array<i32>} : memref<1024xf32, #tpu.memory_space<vmem>>, vector<16xf32>,
    %get3A_193 = arith.constant 592 : index
    %get3A_194 = tpu.vector_load %arg6[%get3A_193] {strides = array<i32>} : memref<1024xi32, #tpu.memory_space<vmem>>, vector<16xi32>,
    %gather3A_195 = tpu.vector_load_idx %arg5[%get3A_194] : memref<100000xf32, #tpu.memory_space<vmem>>[vector<16xi32>], vector<16xf32>,
    %swap3A_196 = arith.constant 592 : index
    %swap3A_197 = tpu.vector_load %arg7[%swap3A_196] {strides = array<i32>} : memref<1024xf32, #tpu.memory_space<vmem>>, vector<16xf32>,
    tpu.vector_store %arg7[%swap3A_196], %gather3A_195 {strides = array<i32>} : memref<1024xf32, #tpu.memory_space<vmem>>, vector<16xf32>,
    %get3A_198 = arith.constant 608 : index
    %get3A_199 = tpu.vector_load %arg6[%get3A_198] {strides = array<i32>} : memref<1024xi32, #tpu.memory_space<vmem>>, vector<16xi32>,
    %gather3A_200 = tpu.vector_load_idx %arg5[%get3A_199] : memref<100000xf32, #tpu.memory_space<vmem>>[vector<16xi32>], vector<16xf32>,
    %swap3A_201 = arith.constant 608 : index
    %swap3A_202 = tpu.vector_load %arg7[%swap3A_201] {strides = array<i32>} : memref<1024xf32, #tpu.memory_space<vmem>>, vector<16xf32>,
    tpu.vector_store %arg7[%swap3A_201], %gather3A_200 {strides = array<i32>} : memref<1024xf32, #tpu.memory_space<vmem>>, vector<16xf32>,
    %get3A_203 = arith.constant 624 : index
    %get3A_204 = tpu.vector_load %arg6[%get3A_203] {strides = array<i32>} : memref<1024xi32, #tpu.memory_space<vmem>>, vector<16xi32>,
    %gather3A_205 = tpu.vector_load_idx %arg5[%get3A_204] : memref<100000xf32, #tpu.memory_space<vmem>>[vector<16xi32>], vector<16xf32>,
    %swap3A_206 = arith.constant 624 : index
    %swap3A_207 = tpu.vector_load %arg7[%swap3A_206] {strides = array<i32>} : memref<1024xf32, #tpu.memory_space<vmem>>, vector<16xf32>,
    tpu.vector_store %arg7[%swap3A_206], %gather3A_205 {strides = array<i32>} : memref<1024xf32, #tpu.memory_space<vmem>>, vector<16xf32>,
    %get3A_208 = arith.constant 640 : index
    %get3A_209 = tpu.vector_load %arg6[%get3A_208] {strides = array<i32>} : memref<1024xi32, #tpu.memory_space<vmem>>, vector<16xi32>,
    %gather3A_210 = tpu.vector_load_idx %arg5[%get3A_209] : memref<100000xf32, #tpu.memory_space<vmem>>[vector<16xi32>], vector<16xf32>,
    %swap3A_211 = arith.constant 640 : index
    %swap3A_212 = tpu.vector_load %arg7[%swap3A_211] {strides = array<i32>} : memref<1024xf32, #tpu.memory_space<vmem>>, vector<16xf32>,
    tpu.vector_store %arg7[%swap3A_211], %gather3A_210 {strides = array<i32>} : memref<1024xf32, #tpu.memory_space<vmem>>, vector<16xf32>,
    %get3A_213 = arith.constant 656 : index
    %get3A_214 = tpu.vector_load %arg6[%get3A_213] {strides = array<i32>} : memref<1024xi32, #tpu.memory_space<vmem>>, vector<16xi32>,
    %gather3A_215 = tpu.vector_load_idx %arg5[%get3A_214] : memref<100000xf32, #tpu.memory_space<vmem>>[vector<16xi32>], vector<16xf32>,
    %swap3A_216 = arith.constant 656 : index
    %swap3A_217 = tpu.vector_load %arg7[%swap3A_216] {strides = array<i32>} : memref<1024xf32, #tpu.memory_space<vmem>>, vector<16xf32>,
    tpu.vector_store %arg7[%swap3A_216], %gather3A_215 {strides = array<i32>} : memref<1024xf32, #tpu.memory_space<vmem>>, vector<16xf32>,
    %get3A_218 = arith.constant 672 : index
    %get3A_219 = tpu.vector_load %arg6[%get3A_218] {strides = array<i32>} : memref<1024xi32, #tpu.memory_space<vmem>>, vector<16xi32>,
    %gather3A_220 = tpu.vector_load_idx %arg5[%get3A_219] : memref<100000xf32, #tpu.memory_space<vmem>>[vector<16xi32>], vector<16xf32>,
    %swap3A_221 = arith.constant 672 : index
    %swap3A_222 = tpu.vector_load %arg7[%swap3A_221] {strides = array<i32>} : memref<1024xf32, #tpu.memory_space<vmem>>, vector<16xf32>,
    tpu.vector_store %arg7[%swap3A_221], %gather3A_220 {strides = array<i32>} : memref<1024xf32, #tpu.memory_space<vmem>>, vector<16xf32>,
    %get3A_223 = arith.constant 688 : index
    %get3A_224 = tpu.vector_load %arg6[%get3A_223] {strides = array<i32>} : memref<1024xi32, #tpu.memory_space<vmem>>, vector<16xi32>,
    %gather3A_225 = tpu.vector_load_idx %arg5[%get3A_224] : memref<100000xf32, #tpu.memory_space<vmem>>[vector<16xi32>], vector<16xf32>,
    %swap3A_226 = arith.constant 688 : index
    %swap3A_227 = tpu.vector_load %arg7[%swap3A_226] {strides = array<i32>} : memref<1024xf32, #tpu.memory_space<vmem>>, vector<16xf32>,
    tpu.vector_store %arg7[%swap3A_226], %gather3A_225 {strides = array<i32>} : memref<1024xf32, #tpu.memory_space<vmem>>, vector<16xf32>,
    %get3A_228 = arith.constant 704 : index
    %get3A_229 = tpu.vector_load %arg6[%get3A_228] {strides = array<i32>} : memref<1024xi32, #tpu.memory_space<vmem>>, vector<16xi32>,
    %gather3A_230 = tpu.vector_load_idx %arg5[%get3A_229] : memref<100000xf32, #tpu.memory_space<vmem>>[vector<16xi32>], vector<16xf32>,
    %swap3A_231 = arith.constant 704 : index
    %swap3A_232 = tpu.vector_load %arg7[%swap3A_231] {strides = array<i32>} : memref<1024xf32, #tpu.memory_space<vmem>>, vector<16xf32>,
    tpu.vector_store %arg7[%swap3A_231], %gather3A_230 {strides = array<i32>} : memref<1024xf32, #tpu.memory_space<vmem>>, vector<16xf32>,
    %get3A_233 = arith.constant 720 : index
    %get3A_234 = tpu.vector_load %arg6[%get3A_233] {strides = array<i32>} : memref<1024xi32, #tpu.memory_space<vmem>>, vector<16xi32>,
    %gather3A_235 = tpu.vector_load_idx %arg5[%get3A_234] : memref<100000xf32, #tpu.memory_space<vmem>>[vector<16xi32>], vector<16xf32>,
    %swap3A_236 = arith.constant 720 : index
    %swap3A_237 = tpu.vector_load %arg7[%swap3A_236] {strides = array<i32>} : memref<1024xf32, #tpu.memory_space<vmem>>, vector<16xf32>,
    tpu.vector_store %arg7[%swap3A_236], %gather3A_235 {strides = array<i32>} : memref<1024xf32, #tpu.memory_space<vmem>>, vector<16xf32>,
    %get3A_238 = arith.constant 736 : index
    %get3A_239 = tpu.vector_load %arg6[%get3A_238] {strides = array<i32>} : memref<1024xi32, #tpu.memory_space<vmem>>, vector<16xi32>,
    %gather3A_240 = tpu.vector_load_idx %arg5[%get3A_239] : memref<100000xf32, #tpu.memory_space<vmem>>[vector<16xi32>], vector<16xf32>,
    %swap3A_241 = arith.constant 736 : index
    %swap3A_242 = tpu.vector_load %arg7[%swap3A_241] {strides = array<i32>} : memref<1024xf32, #tpu.memory_space<vmem>>, vector<16xf32>,
    tpu.vector_store %arg7[%swap3A_241], %gather3A_240 {strides = array<i32>} : memref<1024xf32, #tpu.memory_space<vmem>>, vector<16xf32>,
    %get3A_243 = arith.constant 752 : index
    %get3A_244 = tpu.vector_load %arg6[%get3A_243] {strides = array<i32>} : memref<1024xi32, #tpu.memory_space<vmem>>, vector<16xi32>,
    %gather3A_245 = tpu.vector_load_idx %arg5[%get3A_244] : memref<100000xf32, #tpu.memory_space<vmem>>[vector<16xi32>], vector<16xf32>,
    %swap3A_246 = arith.constant 752 : index
    %swap3A_247 = tpu.vector_load %arg7[%swap3A_246] {strides = array<i32>} : memref<1024xf32, #tpu.memory_space<vmem>>, vector<16xf32>,
    tpu.vector_store %arg7[%swap3A_246], %gather3A_245 {strides = array<i32>} : memref<1024xf32, #tpu.memory_space<vmem>>, vector<16xf32>,
    %get3A_248 = arith.constant 768 : index
    %get3A_249 = tpu.vector_load %arg6[%get3A_248] {strides = array<i32>} : memref<1024xi32, #tpu.memory_space<vmem>>, vector<16xi32>,
    %gather3A_250 = tpu.vector_load_idx %arg5[%get3A_249] : memref<100000xf32, #tpu.memory_space<vmem>>[vector<16xi32>], vector<16xf32>,
    %swap3A_251 = arith.constant 768 : index
    %swap3A_252 = tpu.vector_load %arg7[%swap3A_251] {strides = array<i32>} : memref<1024xf32, #tpu.memory_space<vmem>>, vector<16xf32>,
    tpu.vector_store %arg7[%swap3A_251], %gather3A_250 {strides = array<i32>} : memref<1024xf32, #tpu.memory_space<vmem>>, vector<16xf32>,
    %get3A_253 = arith.constant 784 : index
    %get3A_254 = tpu.vector_load %arg6[%get3A_253] {strides = array<i32>} : memref<1024xi32, #tpu.memory_space<vmem>>, vector<16xi32>,
    %gather3A_255 = tpu.vector_load_idx %arg5[%get3A_254] : memref<100000xf32, #tpu.memory_space<vmem>>[vector<16xi32>], vector<16xf32>,
    %swap3A_256 = arith.constant 784 : index
    %swap3A_257 = tpu.vector_load %arg7[%swap3A_256] {strides = array<i32>} : memref<1024xf32, #tpu.memory_space<vmem>>, vector<16xf32>,
    tpu.vector_store %arg7[%swap3A_256], %gather3A_255 {strides = array<i32>} : memref<1024xf32, #tpu.memory_space<vmem>>, vector<16xf32>,
    %get3A_258 = arith.constant 800 : index
    %get3A_259 = tpu.vector_load %arg6[%get3A_258] {strides = array<i32>} : memref<1024xi32, #tpu.memory_space<vmem>>, vector<16xi32>,
    %gather3A_260 = tpu.vector_load_idx %arg5[%get3A_259] : memref<100000xf32, #tpu.memory_space<vmem>>[vector<16xi32>], vector<16xf32>,
    %swap3A_261 = arith.constant 800 : index
    %swap3A_262 = tpu.vector_load %arg7[%swap3A_261] {strides = array<i32>} : memref<1024xf32, #tpu.memory_space<vmem>>, vector<16xf32>,
    tpu.vector_store %arg7[%swap3A_261], %gather3A_260 {strides = array<i32>} : memref<1024xf32, #tpu.memory_space<vmem>>, vector<16xf32>,
    %get3A_263 = arith.constant 816 : index
    %get3A_264 = tpu.vector_load %arg6[%get3A_263] {strides = array<i32>} : memref<1024xi32, #tpu.memory_space<vmem>>, vector<16xi32>,
    %gather3A_265 = tpu.vector_load_idx %arg5[%get3A_264] : memref<100000xf32, #tpu.memory_space<vmem>>[vector<16xi32>], vector<16xf32>,
    %swap3A_266 = arith.constant 816 : index
    %swap3A_267 = tpu.vector_load %arg7[%swap3A_266] {strides = array<i32>} : memref<1024xf32, #tpu.memory_space<vmem>>, vector<16xf32>,
    tpu.vector_store %arg7[%swap3A_266], %gather3A_265 {strides = array<i32>} : memref<1024xf32, #tpu.memory_space<vmem>>, vector<16xf32>,
    %get3A_268 = arith.constant 832 : index
    %get3A_269 = tpu.vector_load %arg6[%get3A_268] {strides = array<i32>} : memref<1024xi32, #tpu.memory_space<vmem>>, vector<16xi32>,
    %gather3A_270 = tpu.vector_load_idx %arg5[%get3A_269] : memref<100000xf32, #tpu.memory_space<vmem>>[vector<16xi32>], vector<16xf32>,
    %swap3A_271 = arith.constant 832 : index
    %swap3A_272 = tpu.vector_load %arg7[%swap3A_271] {strides = array<i32>} : memref<1024xf32, #tpu.memory_space<vmem>>, vector<16xf32>,
    tpu.vector_store %arg7[%swap3A_271], %gather3A_270 {strides = array<i32>} : memref<1024xf32, #tpu.memory_space<vmem>>, vector<16xf32>,
    %get3A_273 = arith.constant 848 : index
    %get3A_274 = tpu.vector_load %arg6[%get3A_273] {strides = array<i32>} : memref<1024xi32, #tpu.memory_space<vmem>>, vector<16xi32>,
    %gather3A_275 = tpu.vector_load_idx %arg5[%get3A_274] : memref<100000xf32, #tpu.memory_space<vmem>>[vector<16xi32>], vector<16xf32>,
    %swap3A_276 = arith.constant 848 : index
    %swap3A_277 = tpu.vector_load %arg7[%swap3A_276] {strides = array<i32>} : memref<1024xf32, #tpu.memory_space<vmem>>, vector<16xf32>,
    tpu.vector_store %arg7[%swap3A_276], %gather3A_275 {strides = array<i32>} : memref<1024xf32, #tpu.memory_space<vmem>>, vector<16xf32>,
    %get3A_278 = arith.constant 864 : index
    %get3A_279 = tpu.vector_load %arg6[%get3A_278] {strides = array<i32>} : memref<1024xi32, #tpu.memory_space<vmem>>, vector<16xi32>,
    %gather3A_280 = tpu.vector_load_idx %arg5[%get3A_279] : memref<100000xf32, #tpu.memory_space<vmem>>[vector<16xi32>], vector<16xf32>,
    %swap3A_281 = arith.constant 864 : index
    %swap3A_282 = tpu.vector_load %arg7[%swap3A_281] {strides = array<i32>} : memref<1024xf32, #tpu.memory_space<vmem>>, vector<16xf32>,
    tpu.vector_store %arg7[%swap3A_281], %gather3A_280 {strides = array<i32>} : memref<1024xf32, #tpu.memory_space<vmem>>, vector<16xf32>,
    %get3A_283 = arith.constant 880 : index
    %get3A_284 = tpu.vector_load %arg6[%get3A_283] {strides = array<i32>} : memref<1024xi32, #tpu.memory_space<vmem>>, vector<16xi32>,
    %gather3A_285 = tpu.vector_load_idx %arg5[%get3A_284] : memref<100000xf32, #tpu.memory_space<vmem>>[vector<16xi32>], vector<16xf32>,
    %swap3A_286 = arith.constant 880 : index
    %swap3A_287 = tpu.vector_load %arg7[%swap3A_286] {strides = array<i32>} : memref<1024xf32, #tpu.memory_space<vmem>>, vector<16xf32>,
    tpu.vector_store %arg7[%swap3A_286], %gather3A_285 {strides = array<i32>} : memref<1024xf32, #tpu.memory_space<vmem>>, vector<16xf32>,
    %get3A_288 = arith.constant 896 : index
    %get3A_289 = tpu.vector_load %arg6[%get3A_288] {strides = array<i32>} : memref<1024xi32, #tpu.memory_space<vmem>>, vector<16xi32>,
    %gather3A_290 = tpu.vector_load_idx %arg5[%get3A_289] : memref<100000xf32, #tpu.memory_space<vmem>>[vector<16xi32>], vector<16xf32>,
    %swap3A_291 = arith.constant 896 : index
    %swap3A_292 = tpu.vector_load %arg7[%swap3A_291] {strides = array<i32>} : memref<1024xf32, #tpu.memory_space<vmem>>, vector<16xf32>,
    tpu.vector_store %arg7[%swap3A_291], %gather3A_290 {strides = array<i32>} : memref<1024xf32, #tpu.memory_space<vmem>>, vector<16xf32>,
    %get3A_293 = arith.constant 912 : index
    %get3A_294 = tpu.vector_load %arg6[%get3A_293] {strides = array<i32>} : memref<1024xi32, #tpu.memory_space<vmem>>, vector<16xi32>,
    %gather3A_295 = tpu.vector_load_idx %arg5[%get3A_294] : memref<100000xf32, #tpu.memory_space<vmem>>[vector<16xi32>], vector<16xf32>,
    %swap3A_296 = arith.constant 912 : index
    %swap3A_297 = tpu.vector_load %arg7[%swap3A_296] {strides = array<i32>} : memref<1024xf32, #tpu.memory_space<vmem>>, vector<16xf32>,
    tpu.vector_store %arg7[%swap3A_296], %gather3A_295 {strides = array<i32>} : memref<1024xf32, #tpu.memory_space<vmem>>, vector<16xf32>,
    %get3A_298 = arith.constant 928 : index
    %get3A_299 = tpu.vector_load %arg6[%get3A_298] {strides = array<i32>} : memref<1024xi32, #tpu.memory_space<vmem>>, vector<16xi32>,
    %gather3A_300 = tpu.vector_load_idx %arg5[%get3A_299] : memref<100000xf32, #tpu.memory_space<vmem>>[vector<16xi32>], vector<16xf32>,
    %swap3A_301 = arith.constant 928 : index
    %swap3A_302 = tpu.vector_load %arg7[%swap3A_301] {strides = array<i32>} : memref<1024xf32, #tpu.memory_space<vmem>>, vector<16xf32>,
    tpu.vector_store %arg7[%swap3A_301], %gather3A_300 {strides = array<i32>} : memref<1024xf32, #tpu.memory_space<vmem>>, vector<16xf32>,
    %get3A_303 = arith.constant 944 : index
    %get3A_304 = tpu.vector_load %arg6[%get3A_303] {strides = array<i32>} : memref<1024xi32, #tpu.memory_space<vmem>>, vector<16xi32>,
    %gather3A_305 = tpu.vector_load_idx %arg5[%get3A_304] : memref<100000xf32, #tpu.memory_space<vmem>>[vector<16xi32>], vector<16xf32>,
    %swap3A_306 = arith.constant 944 : index
    %swap3A_307 = tpu.vector_load %arg7[%swap3A_306] {strides = array<i32>} : memref<1024xf32, #tpu.memory_space<vmem>>, vector<16xf32>,
    tpu.vector_store %arg7[%swap3A_306], %gather3A_305 {strides = array<i32>} : memref<1024xf32, #tpu.memory_space<vmem>>, vector<16xf32>,
    %get3A_308 = arith.constant 960 : index
    %get3A_309 = tpu.vector_load %arg6[%get3A_308] {strides = array<i32>} : memref<1024xi32, #tpu.memory_space<vmem>>, vector<16xi32>,
    %gather3A_310 = tpu.vector_load_idx %arg5[%get3A_309] : memref<100000xf32, #tpu.memory_space<vmem>>[vector<16xi32>], vector<16xf32>,
    %swap3A_311 = arith.constant 960 : index
    %swap3A_312 = tpu.vector_load %arg7[%swap3A_311] {strides = array<i32>} : memref<1024xf32, #tpu.memory_space<vmem>>, vector<16xf32>,
    tpu.vector_store %arg7[%swap3A_311], %gather3A_310 {strides = array<i32>} : memref<1024xf32, #tpu.memory_space<vmem>>, vector<16xf32>,
    %get3A_313 = arith.constant 976 : index
    %get3A_314 = tpu.vector_load %arg6[%get3A_313] {strides = array<i32>} : memref<1024xi32, #tpu.memory_space<vmem>>, vector<16xi32>,
    %gather3A_315 = tpu.vector_load_idx %arg5[%get3A_314] : memref<100000xf32, #tpu.memory_space<vmem>>[vector<16xi32>], vector<16xf32>,
    %swap3A_316 = arith.constant 976 : index
    %swap3A_317 = tpu.vector_load %arg7[%swap3A_316] {strides = array<i32>} : memref<1024xf32, #tpu.memory_space<vmem>>, vector<16xf32>,
    tpu.vector_store %arg7[%swap3A_316], %gather3A_315 {strides = array<i32>} : memref<1024xf32, #tpu.memory_space<vmem>>, vector<16xf32>,
    %get3A_318 = arith.constant 992 : index
    %get3A_319 = tpu.vector_load %arg6[%get3A_318] {strides = array<i32>} : memref<1024xi32, #tpu.memory_space<vmem>>, vector<16xi32>,
    %gather3A_320 = tpu.vector_load_idx %arg5[%get3A_319] : memref<100000xf32, #tpu.memory_space<vmem>>[vector<16xi32>], vector<16xf32>,
    %swap3A_321 = arith.constant 992 : index
    %swap3A_322 = tpu.vector_load %arg7[%swap3A_321] {strides = array<i32>} : memref<1024xf32, #tpu.memory_space<vmem>>, vector<16xf32>,
    tpu.vector_store %arg7[%swap3A_321], %gather3A_320 {strides = array<i32>} : memref<1024xf32, #tpu.memory_space<vmem>>, vector<16xf32>,
    %get3A_323 = arith.constant 1008 : index
    %get3A_324 = tpu.vector_load %arg6[%get3A_323] {strides = array<i32>} : memref<1024xi32, #tpu.memory_space<vmem>>, vector<16xi32>,
    %gather3A_325 = tpu.vector_load_idx %arg5[%get3A_324] : memref<100000xf32, #tpu.memory_space<vmem>>[vector<16xi32>], vector<16xf32>,
    %swap3A_326 = arith.constant 1008 : index
    %swap3A_327 = tpu.vector_load %arg7[%swap3A_326] {strides = array<i32>} : memref<1024xf32, #tpu.memory_space<vmem>>, vector<16xf32>,
    tpu.vector_store %arg7[%swap3A_326], %gather3A_325 {strides = array<i32>} : memref<1024xf32, #tpu.memory_space<vmem>>, vector<16xf32>,
    "tpu.region"() ({
      %run_scoped3A = tpu.sem_alloc : memref<!tpu.dma_semaphore, #tpu.memory_space<semaphore_mem>>
      %dma_start3A_328 = arith.constant 0 : i32
      %dma_start3A_329 = tpu.memref_slice %arg4[%add3A, %dma_start3A_328] : memref<32x1024xf32, #tpu.memory_space<hbm>> -> memref<1x1024xf32, #tpu.memory_space<hbm>>
      %dma_start3A_330 = tpu.memref_squeeze %dma_start3A_329 : memref<1x1024xf32, #tpu.memory_space<hbm>> -> memref<1024xf32, #tpu.memory_space<hbm>>
      %dma_start3A_331 = arith.constant 0 : i32
      %dma_start3A_332 = tpu.memref_slice %arg4[%add3A, %dma_start3A_331] : memref<32x1024xf32, #tpu.memory_space<hbm>> -> memref<1x1024xf32, #tpu.memory_space<hbm>>
      %dma_start3A_333 = tpu.memref_squeeze %dma_start3A_332 : memref<1x1024xf32, #tpu.memory_space<hbm>> -> memref<1024xf32, #tpu.memory_space<hbm>>
      tpu.enqueue_dma source(%arg7 : memref<1024xf32, #tpu.memory_space<vmem>>) target(%dma_start3A_333 : memref<1024xf32, #tpu.memory_space<hbm>>) target_semaphore(%run_scoped3A : memref<!tpu.dma_semaphore, #tpu.memory_space<semaphore_mem>>)
      %dma_wait3A_334 = arith.constant 0 : i32
      %dma_wait3A_335 = tpu.memref_slice %arg4[%add3A, %dma_wait3A_334] : memref<32x1024xf32, #tpu.memory_space<hbm>> -> memref<1x1024xf32, #tpu.memory_space<hbm>>
      %dma_wait3A_336 = tpu.memref_squeeze %dma_wait3A_335 : memref<1x1024xf32, #tpu.memory_space<hbm>> -> memref<1024xf32, #tpu.memory_space<hbm>>
      %dma_wait3A_337 = arith.constant 0 : i32
      %dma_wait3A_338 = tpu.memref_slice %arg4[%add3A, %dma_wait3A_337] : memref<32x1024xf32, #tpu.memory_space<hbm>> -> memref<1x1024xf32, #tpu.memory_space<hbm>>
      %dma_wait3A_339 = tpu.memref_squeeze %dma_wait3A_338 : memref<1x1024xf32, #tpu.memory_space<hbm>> -> memref<1024xf32, #tpu.memory_space<hbm>>
      tpu.wait_dma2 semaphore(%run_scoped3A : memref<!tpu.dma_semaphore, #tpu.memory_space<semaphore_mem>>) src(%arg7 : memref<1024xf32, #tpu.memory_space<vmem>>) dst(%dma_wait3A_339 : memref<1024xf32, #tpu.memory_space<hbm>>)
      tpu.yield
    }) : () -> ()
    return
  }
}

module attributes {stable_mosaic.version = 14 : i64} {
  func.func @_proj_body(%arg0: i32, %arg1: memref<32x2048xf32, #tpu.memory_space<vmem>>, %arg2: memref<32x1024xf32, #tpu.memory_space<vmem>>, %arg3: memref<2048xf32, #tpu.memory_space<vmem>>, %arg4: memref<100000x1024xf32, #tpu.memory_space<hbm>>, %arg5: memref<3x2048x1024xf32, #tpu.memory_space<vmem>>, %arg6: memref<3x!tpu.dma_semaphore, #tpu.memory_space<semaphore_mem>>) attributes {dimension_semantics = [#tpu.dimension_semantics<arbitrary>], iteration_bounds = array<i64: 49>, scalar_prefetch = 0 : i64, scratch_operands = 2 : i64, tpu.core_type = #tpu.core_type<tc>, window_params = [{transform_indices = @transform_0, window_bounds = array<i64: 32, 2048>}, {pipeline_mode = #tpu.pipeline_mode<synchronous>, transform_indices = @transform_1, window_bounds = array<i64: 32, 1024>}, {transform_indices = @transform_2, window_bounds = array<i64: 2048>}, {}]} {
    %rem3A = arith.constant 3 : i32
    %rem3A_0 = arith.remsi %arg0, %rem3A : i32
    %ge3A = arith.constant 3 : i32
    %ge3A_1 = arith.cmpi sge, %arg0, %ge3A : i32
    %convert_element_type3A = arith.extui %ge3A_1 : i1 to i32
    %cond3A = arith.constant 0 : i32
    %cond3A_2 = arith.cmpi ne, %convert_element_type3A, %cond3A : i32
    scf.if %cond3A_2 {
      %sub3A = arith.constant 3 : i32
      %sub3A_25 = arith.subi %arg0, %sub3A : i32
      %mul3A = arith.constant 2048 : i32
      %mul3A_26 = arith.muli %sub3A_25, %mul3A : i32
      %dma_wait3A = tpu.memref_slice %arg6[%rem3A_0] : memref<3x!tpu.dma_semaphore, #tpu.memory_space<semaphore_mem>> -> memref<1x!tpu.dma_semaphore, #tpu.memory_space<semaphore_mem>>
      %dma_wait3A_27 = tpu.memref_squeeze %dma_wait3A : memref<1x!tpu.dma_semaphore, #tpu.memory_space<semaphore_mem>> -> memref<!tpu.dma_semaphore, #tpu.memory_space<semaphore_mem>>
      %dma_wait3A_28 = arith.constant 0 : i32
      %dma_wait3A_29 = tpu.memref_slice %arg4[%mul3A_26, %dma_wait3A_28] : memref<100000x1024xf32, #tpu.memory_space<hbm>> -> memref<2048x1024xf32, #tpu.memory_space<hbm>>
      %dma_wait3A_30 = arith.constant 0 : i32
      %dma_wait3A_31 = arith.constant 0 : i32
      %dma_wait3A_32 = tpu.memref_slice %arg5[%rem3A_0, %dma_wait3A_30, %dma_wait3A_31] : memref<3x2048x1024xf32, #tpu.memory_space<vmem>> -> memref<1x2048x1024xf32, #tpu.memory_space<vmem>>
      %dma_wait3A_33 = tpu.memref_squeeze %dma_wait3A_32 : memref<1x2048x1024xf32, #tpu.memory_space<vmem>> -> memref<2048x1024xf32, #tpu.memory_space<vmem>>
      tpu.wait_dma2 semaphore(%dma_wait3A_27 : memref<!tpu.dma_semaphore, #tpu.memory_space<semaphore_mem>>) src(%dma_wait3A_33 : memref<2048x1024xf32, #tpu.memory_space<vmem>>) dst(%dma_wait3A_29 : memref<2048x1024xf32, #tpu.memory_space<hbm>>)
    } else {
    }
    %get3A = arith.constant 0 : index
    %get3A_3 = arith.constant 0 : index
    %get3A_4 = vector.load %arg1[%get3A, %get3A_3] : memref<32x2048xf32, #tpu.memory_space<vmem>>, vector<32x2048xf32>
    %get3A_5 = arith.constant 0 : index
    %get3A_6 = arith.constant 0 : index
    %get3A_7 = vector.load %arg2[%get3A_5, %get3A_6] : memref<32x1024xf32, #tpu.memory_space<vmem>>, vector<32x1024xf32>
    %dot_general3A = arith.constant dense<0.000000e+00> : vector<2048x1024xf32>
    %dot_general3A_8 = tpu.matmul %get3A_4, %get3A_7, %dot_general3A {dimension_numbers = #tpu.dot_dimension_numbers<[0], [0], [1], [1], [0, 1, 1, 1], [], []>, transpose_lhs_hint = false} : vector<32x2048xf32>, vector<32x1024xf32>, vector<2048x1024xf32> -> vector<2048x1024xf32>
    %get3A_9 = arith.constant 0 : index
    %get3A_10 = vector.load %arg3[%get3A_9] : memref<2048xf32, #tpu.memory_space<vmem>>, vector<2048xf32>
    %broadcast_in_dim3A = vector.shape_cast %get3A_10 : vector<2048xf32> to vector<2048x1xf32>
    %broadcast_in_dim3A_11 = vector.broadcast %broadcast_in_dim3A : vector<2048x1xf32> to vector<2048x1024xf32>
    %add3A = arith.addf %dot_general3A_8, %broadcast_in_dim3A_11 : vector<2048x1024xf32>
    %swap3A = arith.index_cast %rem3A_0 : i32 to index
    %swap3A_12 = arith.constant 0 : index
    %swap3A_13 = arith.constant 0 : index
    %swap3A_14 = vector.load %arg5[%swap3A, %swap3A_12, %swap3A_13] : memref<3x2048x1024xf32, #tpu.memory_space<vmem>>, vector<1x2048x1024xf32>
    %swap3A_15 = vector.shape_cast %swap3A_14 : vector<1x2048x1024xf32> to vector<2048x1024xf32>
    %swap3A_16 = vector.shape_cast %add3A : vector<2048x1024xf32> to vector<1x2048x1024xf32>
    tpu.vector_store %arg5[%swap3A, %swap3A_12, %swap3A_13], %swap3A_16 {strides = array<i32>} : memref<3x2048x1024xf32, #tpu.memory_space<vmem>>, vector<1x2048x1024xf32>,
    %lt3A = arith.constant 48 : i32
    %lt3A_17 = arith.cmpi slt, %arg0, %lt3A : i32
    %convert_element_type3A_18 = arith.extui %lt3A_17 : i1 to i32
    %cond3A_19 = arith.constant 0 : i32
    %cond3A_20 = arith.cmpi ne, %convert_element_type3A_18, %cond3A_19 : i32
    scf.if %cond3A_20 {
      %mul3A = arith.constant 2048 : i32
      %mul3A_25 = arith.muli %arg0, %mul3A : i32
      %dma_start3A = tpu.memref_slice %arg6[%rem3A_0] : memref<3x!tpu.dma_semaphore, #tpu.memory_space<semaphore_mem>> -> memref<1x!tpu.dma_semaphore, #tpu.memory_space<semaphore_mem>>
      %dma_start3A_26 = tpu.memref_squeeze %dma_start3A : memref<1x!tpu.dma_semaphore, #tpu.memory_space<semaphore_mem>> -> memref<!tpu.dma_semaphore, #tpu.memory_space<semaphore_mem>>
      %dma_start3A_27 = arith.constant 0 : i32
      %dma_start3A_28 = tpu.memref_slice %arg4[%mul3A_25, %dma_start3A_27] : memref<100000x1024xf32, #tpu.memory_space<hbm>> -> memref<2048x1024xf32, #tpu.memory_space<hbm>>
      %dma_start3A_29 = arith.constant 0 : i32
      %dma_start3A_30 = arith.constant 0 : i32
      %dma_start3A_31 = tpu.memref_slice %arg5[%rem3A_0, %dma_start3A_29, %dma_start3A_30] : memref<3x2048x1024xf32, #tpu.memory_space<vmem>> -> memref<1x2048x1024xf32, #tpu.memory_space<vmem>>
      %dma_start3A_32 = tpu.memref_squeeze %dma_start3A_31 : memref<1x2048x1024xf32, #tpu.memory_space<vmem>> -> memref<2048x1024xf32, #tpu.memory_space<vmem>>
      tpu.enqueue_dma source(%dma_start3A_32 : memref<2048x1024xf32, #tpu.memory_space<vmem>>) target(%dma_start3A_28 : memref<2048x1024xf32, #tpu.memory_space<hbm>>) target_semaphore(%dma_start3A_26 : memref<!tpu.dma_semaphore, #tpu.memory_space<semaphore_mem>>)
    } else {
    }
    %eq3A = arith.constant 48 : i32
    %eq3A_21 = arith.cmpi eq, %arg0, %eq3A : i32
    %convert_element_type3A_22 = arith.extui %eq3A_21 : i1 to i32
    %cond3A_23 = arith.constant 0 : i32
    %cond3A_24 = arith.cmpi ne, %convert_element_type3A_22, %cond3A_23 : i32
    scf.if %cond3A_24 {
      %dma_start3A = tpu.memref_slice %arg6[%rem3A_0] : memref<3x!tpu.dma_semaphore, #tpu.memory_space<semaphore_mem>> -> memref<1x!tpu.dma_semaphore, #tpu.memory_space<semaphore_mem>>
      %dma_start3A_25 = tpu.memref_squeeze %dma_start3A : memref<1x!tpu.dma_semaphore, #tpu.memory_space<semaphore_mem>> -> memref<!tpu.dma_semaphore, #tpu.memory_space<semaphore_mem>>
      %dma_start3A_26 = arith.constant 98304 : i32
      %dma_start3A_27 = arith.constant 0 : i32
      %dma_start3A_28 = tpu.memref_slice %arg4[%dma_start3A_26, %dma_start3A_27] : memref<100000x1024xf32, #tpu.memory_space<hbm>> -> memref<1696x1024xf32, #tpu.memory_space<hbm>>
      %dma_start3A_29 = arith.constant 0 : i32
      %dma_start3A_30 = arith.constant 0 : i32
      %dma_start3A_31 = tpu.memref_slice %arg5[%rem3A_0, %dma_start3A_29, %dma_start3A_30] : memref<3x2048x1024xf32, #tpu.memory_space<vmem>> -> memref<1x1696x1024xf32, #tpu.memory_space<vmem>>
      %dma_start3A_32 = tpu.memref_squeeze %dma_start3A_31 : memref<1x1696x1024xf32, #tpu.memory_space<vmem>> -> memref<1696x1024xf32, #tpu.memory_space<vmem>>
      tpu.enqueue_dma source(%dma_start3A_32 : memref<1696x1024xf32, #tpu.memory_space<vmem>>) target(%dma_start3A_28 : memref<1696x1024xf32, #tpu.memory_space<hbm>>) target_semaphore(%dma_start3A_25 : memref<!tpu.dma_semaphore, #tpu.memory_space<semaphore_mem>>)
      %dma_wait3A = arith.constant 1 : i32
      %dma_wait3A_33 = arith.constant 1 : i32
      %dma_wait3A_34 = tpu.memref_slice %arg6[%dma_wait3A_33] : memref<3x!tpu.dma_semaphore, #tpu.memory_space<semaphore_mem>> -> memref<1x!tpu.dma_semaphore, #tpu.memory_space<semaphore_mem>>
      %dma_wait3A_35 = tpu.memref_squeeze %dma_wait3A_34 : memref<1x!tpu.dma_semaphore, #tpu.memory_space<semaphore_mem>> -> memref<!tpu.dma_semaphore, #tpu.memory_space<semaphore_mem>>
      %dma_wait3A_36 = arith.constant 94208 : i32
      %dma_wait3A_37 = arith.constant 0 : i32
      %dma_wait3A_38 = tpu.memref_slice %arg4[%dma_wait3A_36, %dma_wait3A_37] : memref<100000x1024xf32, #tpu.memory_space<hbm>> -> memref<2048x1024xf32, #tpu.memory_space<hbm>>
      %dma_wait3A_39 = arith.constant 0 : i32
      %dma_wait3A_40 = arith.constant 0 : i32
      %dma_wait3A_41 = tpu.memref_slice %arg5[%dma_wait3A, %dma_wait3A_39, %dma_wait3A_40] : memref<3x2048x1024xf32, #tpu.memory_space<vmem>> -> memref<1x2048x1024xf32, #tpu.memory_space<vmem>>
      %dma_wait3A_42 = tpu.memref_squeeze %dma_wait3A_41 : memref<1x2048x1024xf32, #tpu.memory_space<vmem>> -> memref<2048x1024xf32, #tpu.memory_space<vmem>>
      tpu.wait_dma2 semaphore(%dma_wait3A_35 : memref<!tpu.dma_semaphore, #tpu.memory_space<semaphore_mem>>) src(%dma_wait3A_42 : memref<2048x1024xf32, #tpu.memory_space<vmem>>) dst(%dma_wait3A_38 : memref<2048x1024xf32, #tpu.memory_space<hbm>>)
      %dma_wait3A_43 = arith.constant 2 : i32
      %dma_wait3A_44 = arith.constant 2 : i32
      %dma_wait3A_45 = tpu.memref_slice %arg6[%dma_wait3A_44] : memref<3x!tpu.dma_semaphore, #tpu.memory_space<semaphore_mem>> -> memref<1x!tpu.dma_semaphore, #tpu.memory_space<semaphore_mem>>
      %dma_wait3A_46 = tpu.memref_squeeze %dma_wait3A_45 : memref<1x!tpu.dma_semaphore, #tpu.memory_space<semaphore_mem>> -> memref<!tpu.dma_semaphore, #tpu.memory_space<semaphore_mem>>
      %dma_wait3A_47 = arith.constant 96256 : i32
      %dma_wait3A_48 = arith.constant 0 : i32
      %dma_wait3A_49 = tpu.memref_slice %arg4[%dma_wait3A_47, %dma_wait3A_48] : memref<100000x1024xf32, #tpu.memory_space<hbm>> -> memref<2048x1024xf32, #tpu.memory_space<hbm>>
      %dma_wait3A_50 = arith.constant 0 : i32
      %dma_wait3A_51 = arith.constant 0 : i32
      %dma_wait3A_52 = tpu.memref_slice %arg5[%dma_wait3A_43, %dma_wait3A_50, %dma_wait3A_51] : memref<3x2048x1024xf32, #tpu.memory_space<vmem>> -> memref<1x2048x1024xf32, #tpu.memory_space<vmem>>
      %dma_wait3A_53 = tpu.memref_squeeze %dma_wait3A_52 : memref<1x2048x1024xf32, #tpu.memory_space<vmem>> -> memref<2048x1024xf32, #tpu.memory_space<vmem>>
      tpu.wait_dma2 semaphore(%dma_wait3A_46 : memref<!tpu.dma_semaphore, #tpu.memory_space<semaphore_mem>>) src(%dma_wait3A_53 : memref<2048x1024xf32, #tpu.memory_space<vmem>>) dst(%dma_wait3A_49 : memref<2048x1024xf32, #tpu.memory_space<hbm>>)
      %dma_wait3A_54 = arith.constant 0 : i32
      %dma_wait3A_55 = arith.constant 0 : i32
      %dma_wait3A_56 = tpu.memref_slice %arg6[%dma_wait3A_55] : memref<3x!tpu.dma_semaphore, #tpu.memory_space<semaphore_mem>> -> memref<1x!tpu.dma_semaphore, #tpu.memory_space<semaphore_mem>>
      %dma_wait3A_57 = tpu.memref_squeeze %dma_wait3A_56 : memref<1x!tpu.dma_semaphore, #tpu.memory_space<semaphore_mem>> -> memref<!tpu.dma_semaphore, #tpu.memory_space<semaphore_mem>>
      %dma_wait3A_58 = arith.constant 98304 : i32
      %dma_wait3A_59 = arith.constant 0 : i32
      %dma_wait3A_60 = tpu.memref_slice %arg4[%dma_wait3A_58, %dma_wait3A_59] : memref<100000x1024xf32, #tpu.memory_space<hbm>> -> memref<1696x1024xf32, #tpu.memory_space<hbm>>
      %dma_wait3A_61 = arith.constant 0 : i32
      %dma_wait3A_62 = arith.constant 0 : i32
      %dma_wait3A_63 = tpu.memref_slice %arg5[%dma_wait3A_54, %dma_wait3A_61, %dma_wait3A_62] : memref<3x2048x1024xf32, #tpu.memory_space<vmem>> -> memref<1x1696x1024xf32, #tpu.memory_space<vmem>>
      %dma_wait3A_64 = tpu.memref_squeeze %dma_wait3A_63 : memref<1x1696x1024xf32, #tpu.memory_space<vmem>> -> memref<1696x1024xf32, #tpu.memory_space<vmem>>
      tpu.wait_dma2 semaphore(%dma_wait3A_57 : memref<!tpu.dma_semaphore, #tpu.memory_space<semaphore_mem>>) src(%dma_wait3A_64 : memref<1696x1024xf32, #tpu.memory_space<vmem>>) dst(%dma_wait3A_60 : memref<1696x1024xf32, #tpu.memory_space<hbm>>)
    } else {
    }
    return
  }
  func.func @transform_0(%arg0: i32) -> (i32, i32) {
    %c0_i32 = arith.constant 0 : i32
    %c0_i32_0 = arith.constant 0 : i32
    return %c0_i32, %arg0 : i32, i32
  }
  func.func @transform_1(%arg0: i32) -> (i32, i32) {
    %c0_i32 = arith.constant 0 : i32
    %c0_i32_0 = arith.constant 0 : i32
    %c0_i32_1 = arith.constant 0 : i32
    return %c0_i32, %c0_i32_0 : i32, i32
  }
  func.func @transform_2(%arg0: i32) -> i32 {
    %c0_i32 = arith.constant 0 : i32
    return %arg0 : i32
  }
}

</mosaic_0001>

<sc_bundles>
// kernel: kernel.4.cloned.1.call-start
scs
__scs_entry_jumppad:
0x0: {  	(pc) =	sbr.rel $0x88, $3  }
0x1: {  	(tag) =	ssettag $0x0;
	lr =	simm.s32 $0x1  }
0x2: {  	[smem:$0x3F9D] =	sst lr;
	_ =	strace $0xD0000000  }
0x3: {  	_ = 	snop  }
0x4: {  	_ = 	snop  }
0x5: {  	_ = 	snop  }
0x6: {  	_ = 	snop  }
0x7: {  	_ = 	snop  }
__scs_overlays_trampoline_lowered:
0x8: {  	[smem:$0x3FAC] =	sst s0  }
0x9: {  	[smem:$0x3FAD] =	sst s1  }
0xa: {  	[smem:$0x3FAE] =	sst s2  }
0xb: {  	[smem:$0x3FAF] =	sst s3  }
0xc: {  	[smem:$0x3FB0] =	sst s4  }
0xd: {  	[smem:$0x3FB1] =	sst s5  }
0xe: {  	[smem:$0x3FB2] =	sst s6  }
0xf: {  	[smem:$0x3FB3] =	sst s7  }
0x10: {  	[smem:$0x3FB4] =	sst s8  }
0x11: {  	[smem:$0x3FB5] =	sst s9;
	s0 =	simm.s32 @!p0 $0x0  }
0x12: {  	s1 =	sld [smem:$0x3F9B];
	s0 =	simm.s32 @p0 $0x1  }
0x13: {  	[smem:$0x3FB6] =	sst s0;
	s0 =	simm.s32 @!p1 $0x0  }
0x14: {  	s2 =	sld [smem:$0x3F9A];
	s0 =	simm.s32 @p1 $0x1  }
0x15: {  	[smem:$0x3FB7] =	sst s0;
	s0 =	simm.s32 @!p2 $0x0  }
0x16: {  	s3 =	sld [smem:$0x3FDB];
	s0 =	simm.s32 @p2 $0x1  }
0x17: {  	s4 =	simm.s32 $0x1BF5;
	[smem:$0x3FB9] =	sst s0  }
0x18: {  	s0 =	sld [smem:$0x3F9C];
	_ =	swait.ge [sflag:s4], $0x0  }
0x19: {  	s7 =	sld [smem:$0x3F9D]  }
0x1a: {  	s8 =	sadd.s32 $0xFFFFE003, lr  }
0x1b: {  	s9 =	sadd.s32 $0xFFFFFEF7, lr;
	s5 =	simm.s32 $0xFFFFFFFF;
	p2 =	slt.u32 s8, $0xFFFFF086  }
0x1c: {  	p1 =	slt.u32 s9, $0xF7A;
	s5 =	simm.s32 @!p2 $0x0  }
0x1d: {  	s5 =	simm.s32 @p1 $0x1;
	p0 =	seq.s32 s7, s2  }
0x1e: {  	s7 =	smul.u32 @!p0 $0xF7A, s2;
	p2 =	seq.s32 @!p0 s5, $0x0  }
0x1f: {  	s9 =	smul.u32 $0xF7A, s1;
	s8 =	simm.s32 @!p0 $0x1BF5;
	p2 =	por !p2, p0  }
0x20: {  	[sflag:s8] =	ssyncset.s32 @!p0 $0xFFFFF086;
	s6 =	sadd.s32 @!p0 s3, s7;
	s7 =	simm.s32 @!p0 $0x108  }
0x21: {  	s3 =	sadd.s32 s3, s9;
	s6 =	sadd.s32 @!p0 $0x88, s6;
	s7 =	simm.s32 @p2 $0x1082  }
0x22: {  	[simem:s7], [sflag:s8] =	dma.local @!p0 [hbm:s6], $0xF7A  }
0x23: {  	s9 =	sor.u32 $0xD0000000, s2;
	s6 =	simm.s32 $0x108;
	_ =	swait.ge @!p0 [sflag:s8], $0x0  }
0x24: {  	s3 =	sadd.s32 $0x88, s3;
	s6 =	simm.s32 @!p1 $0x1082;
	[sflag:s4] =	ssyncset.s32 $0xFFFFF086  }
0x25: {  	[simem:s6], [sflag:s4] =	dma.local [hbm:s3], $0xF7A  }
0x26: {  	[smem:$0x3F9D] =	sst s1;
	(tag) =	ssettag s2;
	_ =	strace s9  }
0x27: {  	s1 =	sld [smem:$0x3FAD]  }
0x28: {  	s2 =	sld [smem:$0x3FAE]  }
0x29: {  	s4 =	sld [smem:$0x3FB0]  }
0x2a: {  	p0 =	seq.s32 s5, $0x0;
	s5 =	sld [smem:$0x3FB1]  }
0x2b: {  	s6 =	sld [smem:$0x3FB2]  }
0x2c: {  	s7 =	sld [smem:$0x3FB3]  }
0x2d: {  	s3 =	simm.s32 $0x108;
	s8 =	sld [smem:$0x3FB4]  }
0x2e: {  	s3 =	simm.s32 @!p0 $0x1082;
	s9 =	sld [smem:$0x3FB5]  }
0x2f: {  	lr =	sadd.s32 s0, s3;
	s0 =	sld [smem:$0x3FAC]  }
0x30: {  	s3 =	sld [smem:$0x3FAF]  }
0x31: {  	[smem:$0x3FB8] =	sst s10  }
0x32: {  	s10 =	sld [smem:$0x3FB6];
	_ =	sdelay $0x3  }
0x33: {  	p0 =	seq.s32 s10, $0x1;
	s10 =	sld [smem:$0x3FB8];
	_ =	sdelay $0x3  }
0x34: {  	[smem:$0x3FB8] =	sst s10  }
0x35: {  	s10 =	sld [smem:$0x3FB7];
	_ =	sdelay $0x3  }
0x36: {  	p1 =	seq.s32 s10, $0x1;
	s10 =	sld [smem:$0x3FB8];
	_ =	sdelay $0x3  }
0x37: {  	[smem:$0x3FB8] =	sst s10  }
0x38: {  	s10 =	sld [smem:$0x3FB9]  }
0x39: {  	_ = 	snop;
	(pc) =	sbr.ind lr, $3  }
0x3a: {  	_ = 	snop  }
0x3b: {  	_ = 	snop  }
0x3c: {  	p2 =	seq.s32 s10, $0x1;
	s10 =	sld [smem:$0x3FB8]  }
0x3d: {  	_ =	shalt  }
0x3e: {  	_ =	shalt  }
0x3f: {  	_ =	shalt  }
0x40: {  	_ =	shalt  }
0x41: {  	_ =	shalt  }
0x42: {  	_ =	shalt  }
0x43: {  	_ =	shalt  }
0x44: {  	_ =	shalt  }
0x45: {  	_ =	shalt  }
0x46: {  	_ =	shalt  }
0x47: {  	_ =	shalt  }
0x48: {  	_ =	shalt  }
0x49: {  	_ =	shalt  }
0x4a: {  	_ =	shalt  }
0x4b: {  	_ =	shalt  }
0x4c: {  	_ =	shalt  }
0x4d: {  	_ =	shalt  }
0x4e: {  	_ =	shalt  }
0x4f: {  	_ =	shalt  }
0x50: {  	_ =	shalt  }
0x51: {  	_ =	shalt  }
0x52: {  	_ =	shalt  }
0x53: {  	_ =	shalt  }
0x54: {  	_ =	shalt  }
0x55: {  	_ =	shalt  }
0x56: {  	_ =	shalt  }
0x57: {  	_ =	shalt  }
0x58: {  	_ =	shalt  }
0x59: {  	_ =	shalt  }
0x5a: {  	_ =	shalt  }
0x5b: {  	_ =	shalt  }
0x5c: {  	_ =	shalt  }
0x5d: {  	_ =	shalt  }
0x5e: {  	_ =	shalt  }
0x5f: {  	_ =	shalt  }
0x60: {  	_ =	shalt  }
0x61: {  	_ =	shalt  }
0x62: {  	_ =	shalt  }
0x63: {  	_ =	shalt  }
0x64: {  	_ =	shalt  }
0x65: {  	_ =	shalt  }
0x66: {  	_ =	shalt  }
0x67: {  	_ =	shalt  }
0x68: {  	_ =	shalt  }
0x69: {  	_ =	shalt  }
0x6a: {  	_ =	shalt  }
0x6b: {  	_ =	shalt  }
0x6c: {  	_ =	shalt  }
0x6d: {  	_ =	shalt  }
0x6e: {  	_ =	shalt  }
0x6f: {  	_ =	shalt  }
0x70: {  	_ =	shalt  }
0x71: {  	_ =	shalt  }
0x72: {  	_ =	shalt  }
0x73: {  	_ =	shalt  }
0x74: {  	_ =	shalt  }
0x75: {  	_ =	shalt  }
0x76: {  	_ =	shalt  }
0x77: {  	_ =	shalt  }
0x78: {  	_ =	shalt  }
0x79: {  	_ =	shalt  }
0x7a: {  	_ =	shalt  }
0x7b: {  	_ =	shalt  }
0x7c: {  	_ =	shalt  }
0x7d: {  	_ =	shalt  }
0x7e: {  	_ =	shalt  }
0x7f: {  	_ =	shalt  }
0x80: {  	_ =	shalt  }
0x81: {  	_ =	shalt  }
0x82: {  	_ =	shalt  }
0x83: {  	_ =	shalt  }
0x84: {  	_ =	shalt  }
0x85: {  	_ =	shalt  }
0x86: {  	_ =	shalt  }
0x87: {  	_ =	shalt  }
.Lfunc_end0:
.L_simem_size_0:
called_computation_lowered:
.L_overlay_start_0:
0x88: {  	s2 =	sld [smem:$0x3FD9]  }
0x89: {  	s3 =	sld [smem:$0x3FFE];
	_ =	sdelay $0x1  }
0x8a: {  	s1 =	srdreg.scid  }
0x8b: {  	s0 =	sand.u32 $0x1, s1  }
0x8c: {  	s17 =	sshll.u32 s0, $0xA;
	s2 =	sadd.s32 s3, s2  }
0x8d: {  	s2 =	sadd.s32 s2, s17  }
0x8e: {  	[smem:$0x3FC4] =	sst s2  }
0x8f: {  	_ = 	snop  }
0x90: {  	s2 =	sld [smem:$0x3FC9]  }
0x91: {  	s18 =	sld [smem:$0x3FC8];
	(tm) =	ssettm $0x1  }
0x92: {  	s4 =	sld [smem:$0x3FFB];
	_ =	sdelay $0x3  }
0x93: {  	_ =	strace s4  }
0x94: {  	s4 =	sld [smem:$0x3FFC];
	_ =	sdelay $0x3  }
0x95: {  	_ =	strace s4  }
0x96: {  	s4 =	sld [smem:$0x3FFD];
	_ =	sdelay $0x3  }
0x97: {  	_ =	strace s4  }
0x98: {  	_ =	strace $0x8FFFFFFF  }
0x99: {  	s19 =	sld [smem:$0x3FDB];
	_ =	sdelay $0x1  }
0x9a: {  	s5 =	simm.s32 $_scs_section_size  }
0x9b: {  	s6 =	simm.s32 $_size__tile_overlayer_lowered;
	s7 =	simm.s32 $_tile_overlayer_lowered  }
0x9c: {  	s22 =	simm.s32 $0x1BFF;
	s21 =	sshll.u32 s7, $0x1;
	s4 =	sadd.s32 s5, s19  }
0x9d: {  	s8 =	simm.s32 $0x0;
	s20 =	sshll.u32 s6, $0x1;
	s6 =	sadd.s32 s21, s4  }
0x9e: {  	[timem:s8], [sflag:s22] =	dma.local [hbm:s6], s20  }
0x9f: {  	_ =	swait.ge [sflag:s22], s20  }
0xa0: {  	s5 =	ssub.s32 $0x0, s20;
	[sflag:s22] =	ssyncset.done $0x0  }
0xa1: {  	[sflag:s22] =	ssyncadd.s32 s5;
	_ =	sdelay $0x1  }
0xa2: {  	s23 =	simm.s32 $0x1B8B  }
0xa3: {  	_ =	swait.ge [sflag:s23], $0x1  }
0xa4: {  	[sflag:s23] =	ssyncset.done $0x0  }
0xa5: {  	s25 =	simm.s32 $0x1B8E;
	s24 =	sld [smem:$0x3FFE];
	[sflag:s23] =	ssyncadd.s32 $0xFFFFFFFF  }
0xa6: {  	s26 =	simm.s32 $execute0_lowered;
	[smem:$0x3FD2] =	sst s25  }
0xa7: {  	s6 =	sshll.u32 s26, $0x1;
	_ =	strace $0x80000046;
	[dreg:$0x1] =	wrdreg $0xFFFFFFFF  }
0xa8: {  	s28 =	simm.s32 $_size_execute0_lowered;
	s4 =	sadd.s32 s4, s6;
	[dreg:$0x0] =	wrdreg $0x0  }
0xa9: {  	s6 =	sshll.u32 s28, $0x1;
	[dreg:$0x2] =	wrdreg s4  }
0xaa: {  	[dreg:$0x3] =	wrdreg s6  }
0xab: {  	[dreg:$0x4] =	wrdreg $0xC0  }
0xac: {  	_ =	task [dreg:s8], $0x5FFFF  }
0xad: {  	[dreg:$0x1] =	wrdreg $0xFFFFFFFF  }
0xae: {  	[dreg:$0x0] =	wrdreg $0x60  }
0xaf: {  	[dreg:$0x2] =	wrdreg s2  }
0xb0: {  	[dreg:$0x3] =	wrdreg s18  }
0xb1: {  	[dreg:$0x4] =	wrdreg s24  }
0xb2: {  	[dreg:$0x5] =	wrdreg $0x9  }
0xb3: {  	_ =	task.clear_ibuf [dreg:s8], $0x6FFFF;
	_ =	strace $0x90000046  }
0xb4: {  	s29 =	simm.s32 $0x9;
	_ =	strace $0x80000048  }
0xb5: {  	_ =	swait.ge [sflag:s29], $0x1  }
0xb6: {  	[sflag:s29] =	ssyncadd.s32 $0xFFFFFFFF  }
0xb7: {  	_ =	strace $0x90000048  }
0xb8: {  	_ =	sfence  }
0xb9: {  	s30 =	sld [smem:$0x0];
	_ =	sdelay $0x2  }
0xba: {  	s31 =	sshll.u32 s1, $0xD;
	s1 =	sshrl.u32 s1, $0x2  }
0xbb: {  	s3 =	sand.u32 $0x4000, s31;
	s1 =	sadd.s32 s1, s30  }
0xbc: {  	s0 =	sor.u32 s3, s0;
	s1 =	sshll.u32 s1, $0x11  }
0xbd: {  	s0 =	sor.u32 s1, s0  }
0xbe: {  	s0 =	sadd.s32 $0x8F2B, s0  }
0xbf: {  	[sflag:s0] =	ssyncadd.remote.s32 $0x1  }
0xc0: {  	_ =	sfence.sel $0xFFFF  }
0xc1: {  	[dreg:$0x0] =	wrdreg $0xFFFFFFFF;
	(pc) =	sbr.abs _section_cstart, $3  }
0xc2: {  	[dreg:$0x1] =	wrdreg $0xFFFFFFFF  }
0xc3: {  	_ =	task.clear_ibuf [dreg:s8], $0x2FFFF;
	_ =	strace $0x9FFFFFFF  }
0xc4: {  	(tm) =	ssettm $0x7FFFFFFF  }
0xc5: {  	_ =	shalt  }
tec
execute0_lowered:
.L_overlay_start_1:
0x0: {  	(tag) =	ssettag $0x1  }
0x1: {  	s1 =	rddreg [dreg:$0x0]  }
0x2: {  	s4 =	rddreg [dreg:$0x1]  }
0x3: {  	s5 =	rddreg [dreg:$0x2]  }
0x4: {  	s0 =	rddreg [dreg:$0x3];
	s3 =	simm.s32 $0x0  }
0x5: {  	s6 =	srdreg.scid;
	s2 =	stileid.u32;
	s11 =	simm.s32 $0x2  }
0x6: {  	s12 =	simm.s32 $0x18B00;
	s13 =	simm.s32 $0x3;
	[smem:$0x7FF] =	sst s3  }
0x7: {  	s6 =	sand.u32 $0x1, s6;
	s7 =	sshrl.u32 s2, $0x2;
	s8 =	sshll.u32 s2, $0x8  }
0x8: {  	s9 =	sshll.u32 s6, $0x7;
	s8 =	sand.u32 $0x300, s8;
	s10 =	smul.u32 $0xC3800, s7  }
0x9: {  	_ =	strace $0x80000047;
	s7 =	sshll.u32 s7, $0xD;
	s6 =	ssub.s32 $0x2, s6  }
0xa: {  	s8 =	sor.u32 s9, s8;
	s31 =	sshrl.u32 s6, $0x1;
	s9 =	simm.s32 $0x400  }
0xb: {  	s7 =	sor.u32 s7, s8;
	s8 =	sor.u32 s10, s8;
	s6 =	ssub.s32 s6, s31  }
0xc: {  	s10 =	simm.s32 $0x1;
	s7 =	sshrl.u32 s7, $0x3;
	s8 =	sshrl.u32 s8, $0x3  }
0xd: {  	s6 =	smax.u32 s6, $0x1;
	s5 =	sadd.s32 s7, s5;
	s4 =	sadd.s32 s4, s8  }
0xe: {  	s7 =	simm.s32 $0x18700;
	s8 =	simm.s32 $0x80;
	s5 =	sadd.s32 $0x400, s5  }
.LBB2_1:
0xf: {  	[tilespmem:s7], [sflag:$0x1] =	stream.linear.gather [hbm4b:s1+s3], $0x400, $0x38;
	[tilespmem:$0x18F00] =	vst v63  }
0x10: {  	_ = 	snop  }
0x11: {  	[tilespmem:s3], [sflag:$0x2] =	stream.strided.gather [hbm4b:s4+s8], $0x18700, s9, s8, $0x38;
	[tilespmem:$0x18F00] =	vst v63  }
0x12: {  	_ =	swait.ge [sflag:s10], $0x400  }
0x13: {  	[sflag:s10] =	ssyncset.done $0x0  }
0x14: {  	[sflag:s10] =	ssyncadd.s32 $0xFFFFFC00  }
0x15: {  	_ =	swait.ge [sflag:s11], $0x18700  }
0x16: {  	[sflag:s11] =	ssyncset.done $0x0  }
0x17: {  	[sflag:s11] =	ssyncadd.s32 $0xFFFE7900  }
0x18: {  	v0 =	vld [tilespmem:$0x18700];
	_ =	sdelay $0x5  }
0x19: {  	v1 =	vld [tilespmem:$0x18710];
	_ =	sdelay $0x1  }
0x1a: {  	v0 =	vld.idx.msk [tilespmem:v0+s3+$0x0], $0xffff;
	_ =	sdelay $0x3  }
0x1b: {  	v2 =	vld [tilespmem:$0x18720]  }
0x1c: {  	[tilespmem:$0x18B00] =	vst v0  }
0x1d: {  	v0 =	vld.idx.msk [tilespmem:v1+s3+$0x0], $0xffff;
	_ =	sdelay $0x3  }
0x1e: {  	v63 =	vld [tilespmem:$0x18730]  }
0x1f: {  	[tilespmem:$0x18B10] =	vst v0  }
0x20: {  	v0 =	vld.idx.msk [tilespmem:v2+s3+$0x0], $0xffff;
	_ =	sdelay $0x3  }
0x21: {  	v4 =	vld [tilespmem:$0x18740]  }
0x22: {  	[tilespmem:$0x18B20] =	vst v0  }
0x23: {  	v0 =	vld.idx.msk [tilespmem:v63+s3+$0x0], $0xffff;
	_ =	sdelay $0x3  }
0x24: {  	v5 =	vld [tilespmem:$0x18750]  }
0x25: {  	[tilespmem:$0x18B30] =	vst v0  }
0x26: {  	v0 =	vld.idx.msk [tilespmem:v4+s3+$0x0], $0xffff;
	_ =	sdelay $0x3  }
0x27: {  	v6 =	vld [tilespmem:$0x18760]  }
0x28: {  	[tilespmem:$0x18B40] =	vst v0  }
0x29: {  	v0 =	vld.idx.msk [tilespmem:v5+s3+$0x0], $0xffff;
	_ =	sdelay $0x3  }
0x2a: {  	v7 =	vld [tilespmem:$0x18770]  }
0x2b: {  	[tilespmem:$0x18B50] =	vst v0  }
0x2c: {  	v0 =	vld.idx.msk [tilespmem:v6+s3+$0x0], $0xffff;
	_ =	sdelay $0x3  }
0x2d: {  	v8 =	vld [tilespmem:$0x18780]  }
0x2e: {  	[tilespmem:$0x18B60] =	vst v0  }
0x2f: {  	v0 =	vld.idx.msk [tilespmem:v7+s3+$0x0], $0xffff;
	_ =	sdelay $0x3  }
0x30: {  	v9 =	vld [tilespmem:$0x18790]  }
0x31: {  	[tilespmem:$0x18B70] =	vst v0  }
0x32: {  	v0 =	vld.idx.msk [tilespmem:v8+s3+$0x0], $0xffff;
	_ =	sdelay $0x3  }
0x33: {  	v10 =	vld [tilespmem:$0x187A0]  }
0x34: {  	[tilespmem:$0x18B80] =	vst v0  }
0x35: {  	v0 =	vld.idx.msk [tilespmem:v9+s3+$0x0], $0xffff;
	_ =	sdelay $0x3  }
0x36: {  	v11 =	vld [tilespmem:$0x187B0]  }
0x37: {  	[tilespmem:$0x18B90] =	vst v0  }
0x38: {  	v0 =	vld.idx.msk [tilespmem:v10+s3+$0x0], $0xffff;
	_ =	sdelay $0x3  }
0x39: {  	v12 =	vld [tilespmem:$0x187C0]  }
0x3a: {  	[tilespmem:$0x18BA0] =	vst v0  }
0x3b: {  	v0 =	vld.idx.msk [tilespmem:v11+s3+$0x0], $0xffff;
	_ =	sdelay $0x3  }
0x3c: {  	v13 =	vld [tilespmem:$0x187D0]  }
0x3d: {  	[tilespmem:$0x18BB0] =	vst v0  }
0x3e: {  	v0 =	vld.idx.msk [tilespmem:v12+s3+$0x0], $0xffff;
	_ =	sdelay $0x3  }
0x3f: {  	v14 =	vld [tilespmem:$0x187E0]  }
0x40: {  	[tilespmem:$0x18BC0] =	vst v0  }
0x41: {  	v0 =	vld.idx.msk [tilespmem:v13+s3+$0x0], $0xffff;
	_ =	sdelay $0x3  }
0x42: {  	v15 =	vld [tilespmem:$0x187F0]  }
0x43: {  	[tilespmem:$0x18BD0] =	vst v0  }
0x44: {  	v0 =	vld.idx.msk [tilespmem:v14+s3+$0x0], $0xffff;
	_ =	sdelay $0x3  }
0x45: {  	v16 =	vld [tilespmem:$0x18800]  }
0x46: {  	[tilespmem:$0x18BE0] =	vst v0  }
0x47: {  	v0 =	vld.idx.msk [tilespmem:v15+s3+$0x0], $0xffff;
	_ =	sdelay $0x3  }
0x48: {  	v17 =	vld [tilespmem:$0x18810]  }
0x49: {  	[tilespmem:$0x18BF0] =	vst v0  }
0x4a: {  	v0 =	vld.idx.msk [tilespmem:v16+s3+$0x0], $0xffff;
	_ =	sdelay $0x3  }
0x4b: {  	v18 =	vld [tilespmem:$0x18820]  }
0x4c: {  	[tilespmem:$0x18C00] =	vst v0  }
0x4d: {  	v0 =	vld.idx.msk [tilespmem:v17+s3+$0x0], $0xffff;
	_ =	sdelay $0x3  }
0x4e: {  	v19 =	vld [tilespmem:$0x18830]  }
0x4f: {  	[tilespmem:$0x18C10] =	vst v0  }
0x50: {  	v0 =	vld.idx.msk [tilespmem:v18+s3+$0x0], $0xffff;
	_ =	sdelay $0x3  }
0x51: {  	v20 =	vld [tilespmem:$0x18840]  }
0x52: {  	[tilespmem:$0x18C20] =	vst v0  }
0x53: {  	v0 =	vld.idx.msk [tilespmem:v19+s3+$0x0], $0xffff;
	_ =	sdelay $0x3  }
0x54: {  	v21 =	vld [tilespmem:$0x18850]  }
0x55: {  	[tilespmem:$0x18C30] =	vst v0  }
0x56: {  	v0 =	vld.idx.msk [tilespmem:v20+s3+$0x0], $0xffff;
	_ =	sdelay $0x3  }
0x57: {  	v22 =	vld [tilespmem:$0x18860]  }
0x58: {  	[tilespmem:$0x18C40] =	vst v0  }
0x59: {  	v0 =	vld.idx.msk [tilespmem:v21+s3+$0x0], $0xffff;
	_ =	sdelay $0x3  }
0x5a: {  	v23 =	vld [tilespmem:$0x18870]  }
0x5b: {  	[tilespmem:$0x18C50] =	vst v0  }
0x5c: {  	v0 =	vld.idx.msk [tilespmem:v22+s3+$0x0], $0xffff;
	_ =	sdelay $0x3  }
0x5d: {  	v24 =	vld [tilespmem:$0x18880]  }
0x5e: {  	[tilespmem:$0x18C60] =	vst v0  }
0x5f: {  	v0 =	vld.idx.msk [tilespmem:v23+s3+$0x0], $0xffff;
	_ =	sdelay $0x3  }
0x60: {  	v25 =	vld [tilespmem:$0x18890]  }
0x61: {  	[tilespmem:$0x18C70] =	vst v0  }
0x62: {  	v0 =	vld.idx.msk [tilespmem:v24+s3+$0x0], $0xffff;
	_ =	sdelay $0x3  }
0x63: {  	v26 =	vld [tilespmem:$0x188A0]  }
0x64: {  	[tilespmem:$0x18C80] =	vst v0  }
0x65: {  	v0 =	vld.idx.msk [tilespmem:v25+s3+$0x0], $0xffff;
	_ =	sdelay $0x3  }
0x66: {  	v27 =	vld [tilespmem:$0x188B0]  }
0x67: {  	[tilespmem:$0x18C90] =	vst v0  }
0x68: {  	v0 =	vld.idx.msk [tilespmem:v26+s3+$0x0], $0xffff;
	_ =	sdelay $0x3  }
0x69: {  	v28 =	vld [tilespmem:$0x188C0]  }
0x6a: {  	[tilespmem:$0x18CA0] =	vst v0  }
0x6b: {  	v0 =	vld.idx.msk [tilespmem:v27+s3+$0x0], $0xffff;
	_ =	sdelay $0x3  }
0x6c: {  	v29 =	vld [tilespmem:$0x188D0]  }
0x6d: {  	[tilespmem:$0x18CB0] =	vst v0  }
0x6e: {  	v0 =	vld.idx.msk [tilespmem:v28+s3+$0x0], $0xffff;
	_ =	sdelay $0x3  }
0x6f: {  	v30 =	vld [tilespmem:$0x188E0]  }
0x70: {  	[tilespmem:$0x18CC0] =	vst v0  }
0x71: {  	v0 =	vld.idx.msk [tilespmem:v29+s3+$0x0], $0xffff;
	_ =	sdelay $0x3  }
0x72: {  	v31 =	vld [tilespmem:$0x188F0]  }
0x73: {  	[tilespmem:$0x18CD0] =	vst v0  }
0x74: {  	v0 =	vld.idx.msk [tilespmem:v30+s3+$0x0], $0xffff;
	_ =	sdelay $0x3  }
0x75: {  	v32 =	vld [tilespmem:$0x18900]  }
0x76: {  	[tilespmem:$0x18CE0] =	vst v0  }
0x77: {  	v0 =	vld.idx.msk [tilespmem:v31+s3+$0x0], $0xffff;
	_ =	sdelay $0x3  }
0x78: {  	v33 =	vld [tilespmem:$0x18910]  }
0x79: {  	[tilespmem:$0x18CF0] =	vst v0  }
0x7a: {  	v0 =	vld.idx.msk [tilespmem:v32+s3+$0x0], $0xffff;
	_ =	sdelay $0x3  }
0x7b: {  	v34 =	vld [tilespmem:$0x18920]  }
0x7c: {  	[tilespmem:$0x18D00] =	vst v0  }
0x7d: {  	v0 =	vld.idx.msk [tilespmem:v33+s3+$0x0], $0xffff;
	_ =	sdelay $0x3  }
0x7e: {  	v35 =	vld [tilespmem:$0x18930]  }
0x7f: {  	[tilespmem:$0x18D10] =	vst v0  }
0x80: {  	v0 =	vld.idx.msk [tilespmem:v34+s3+$0x0], $0xffff;
	_ =	sdelay $0x3  }
0x81: {  	v36 =	vld [tilespmem:$0x18940]  }
0x82: {  	[tilespmem:$0x18D20] =	vst v0  }
0x83: {  	v0 =	vld.idx.msk [tilespmem:v35+s3+$0x0], $0xffff;
	_ =	sdelay $0x3  }
0x84: {  	v37 =	vld [tilespmem:$0x18950]  }
0x85: {  	[tilespmem:$0x18D30] =	vst v0  }
0x86: {  	v0 =	vld.idx.msk [tilespmem:v36+s3+$0x0], $0xffff;
	_ =	sdelay $0x3  }
0x87: {  	v38 =	vld [tilespmem:$0x18960]  }
0x88: {  	[tilespmem:$0x18D40] =	vst v0  }
0x89: {  	v0 =	vld.idx.msk [tilespmem:v37+s3+$0x0], $0xffff;
	_ =	sdelay $0x3  }
0x8a: {  	v39 =	vld [tilespmem:$0x18970]  }
0x8b: {  	[tilespmem:$0x18D50] =	vst v0  }
0x8c: {  	v0 =	vld.idx.msk [tilespmem:v38+s3+$0x0], $0xffff;
	_ =	sdelay $0x3  }
0x8d: {  	v40 =	vld [tilespmem:$0x18980]  }
0x8e: {  	[tilespmem:$0x18D60] =	vst v0  }
0x8f: {  	v0 =	vld.idx.msk [tilespmem:v39+s3+$0x0], $0xffff;
	_ =	sdelay $0x3  }
0x90: {  	v41 =	vld [tilespmem:$0x18990]  }
0x91: {  	[tilespmem:$0x18D70] =	vst v0  }
0x92: {  	v0 =	vld.idx.msk [tilespmem:v40+s3+$0x0], $0xffff;
	_ =	sdelay $0x3  }
0x93: {  	v42 =	vld [tilespmem:$0x189A0]  }
0x94: {  	[tilespmem:$0x18D80] =	vst v0  }
0x95: {  	v0 =	vld.idx.msk [tilespmem:v41+s3+$0x0], $0xffff;
	_ =	sdelay $0x3  }
0x96: {  	v43 =	vld [tilespmem:$0x189B0]  }
0x97: {  	[tilespmem:$0x18D90] =	vst v0  }
0x98: {  	v0 =	vld.idx.msk [tilespmem:v42+s3+$0x0], $0xffff;
	_ =	sdelay $0x3  }
0x99: {  	v44 =	vld [tilespmem:$0x189C0]  }
0x9a: {  	[tilespmem:$0x18DA0] =	vst v0  }
0x9b: {  	v0 =	vld.idx.msk [tilespmem:v43+s3+$0x0], $0xffff;
	_ =	sdelay $0x3  }
0x9c: {  	v45 =	vld [tilespmem:$0x189D0]  }
0x9d: {  	[tilespmem:$0x18DB0] =	vst v0  }
0x9e: {  	v0 =	vld.idx.msk [tilespmem:v44+s3+$0x0], $0xffff;
	_ =	sdelay $0x3  }
0x9f: {  	v46 =	vld [tilespmem:$0x189E0]  }
0xa0: {  	[tilespmem:$0x18DC0] =	vst v0  }
0xa1: {  	v0 =	vld.idx.msk [tilespmem:v45+s3+$0x0], $0xffff;
	_ =	sdelay $0x3  }
0xa2: {  	v47 =	vld [tilespmem:$0x189F0]  }
0xa3: {  	[tilespmem:$0x18DD0] =	vst v0  }
0xa4: {  	v0 =	vld.idx.msk [tilespmem:v46+s3+$0x0], $0xffff;
	_ =	sdelay $0x3  }
0xa5: {  	v48 =	vld [tilespmem:$0x18A00]  }
0xa6: {  	[tilespmem:$0x18DE0] =	vst v0  }
0xa7: {  	v0 =	vld.idx.msk [tilespmem:v47+s3+$0x0], $0xffff;
	_ =	sdelay $0x3  }
0xa8: {  	v49 =	vld [tilespmem:$0x18A10]  }
0xa9: {  	[tilespmem:$0x18DF0] =	vst v0  }
0xaa: {  	v0 =	vld.idx.msk [tilespmem:v48+s3+$0x0], $0xffff;
	_ =	sdelay $0x3  }
0xab: {  	v50 =	vld [tilespmem:$0x18A20]  }
0xac: {  	[tilespmem:$0x18E00] =	vst v0  }
0xad: {  	v0 =	vld.idx.msk [tilespmem:v49+s3+$0x0], $0xffff;
	_ =	sdelay $0x3  }
0xae: {  	v51 =	vld [tilespmem:$0x18A30]  }
0xaf: {  	[tilespmem:$0x18E10] =	vst v0  }
0xb0: {  	v0 =	vld.idx.msk [tilespmem:v50+s3+$0x0], $0xffff;
	_ =	sdelay $0x3  }
0xb1: {  	v52 =	vld [tilespmem:$0x18A40]  }
0xb2: {  	[tilespmem:$0x18E20] =	vst v0  }
0xb3: {  	v0 =	vld.idx.msk [tilespmem:v51+s3+$0x0], $0xffff;
	_ =	sdelay $0x3  }
0xb4: {  	v53 =	vld [tilespmem:$0x18A50]  }
0xb5: {  	[tilespmem:$0x18E30] =	vst v0  }
0xb6: {  	v0 =	vld.idx.msk [tilespmem:v52+s3+$0x0], $0xffff;
	_ =	sdelay $0x3  }
0xb7: {  	v54 =	vld [tilespmem:$0x18A60]  }
0xb8: {  	[tilespmem:$0x18E40] =	vst v0  }
0xb9: {  	v0 =	vld.idx.msk [tilespmem:v53+s3+$0x0], $0xffff;
	_ =	sdelay $0x3  }
0xba: {  	v55 =	vld [tilespmem:$0x18A70]  }
0xbb: {  	[tilespmem:$0x18E50] =	vst v0  }
0xbc: {  	v0 =	vld.idx.msk [tilespmem:v54+s3+$0x0], $0xffff;
	_ =	sdelay $0x3  }
0xbd: {  	v56 =	vld [tilespmem:$0x18A80]  }
0xbe: {  	[tilespmem:$0x18E60] =	vst v0  }
0xbf: {  	v0 =	vld.idx.msk [tilespmem:v55+s3+$0x0], $0xffff;
	_ =	sdelay $0x3  }
0xc0: {  	v57 =	vld [tilespmem:$0x18A90]  }
0xc1: {  	[tilespmem:$0x18E70] =	vst v0  }
0xc2: {  	v0 =	vld.idx.msk [tilespmem:v56+s3+$0x0], $0xffff;
	_ =	sdelay $0x3  }
0xc3: {  	v58 =	vld [tilespmem:$0x18AA0]  }
0xc4: {  	[tilespmem:$0x18E80] =	vst v0  }
0xc5: {  	v0 =	vld.idx.msk [tilespmem:v57+s3+$0x0], $0xffff;
	_ =	sdelay $0x3  }
0xc6: {  	v59 =	vld [tilespmem:$0x18AB0]  }
0xc7: {  	[tilespmem:$0x18E90] =	vst v0  }
0xc8: {  	v0 =	vld.idx.msk [tilespmem:v58+s3+$0x0], $0xffff;
	_ =	sdelay $0x3  }
0xc9: {  	v60 =	vld [tilespmem:$0x18AC0]  }
0xca: {  	[tilespmem:$0x18EA0] =	vst v0  }
0xcb: {  	v0 =	vld.idx.msk [tilespmem:v59+s3+$0x0], $0xffff;
	_ =	sdelay $0x3  }
0xcc: {  	v61 =	vld [tilespmem:$0x18AD0]  }
0xcd: {  	[tilespmem:$0x18EB0] =	vst v0  }
0xce: {  	v0 =	vld.idx.msk [tilespmem:v60+s3+$0x0], $0xffff;
	_ =	sdelay $0x3  }
0xcf: {  	v62 =	vld [tilespmem:$0x18AE0]  }
0xd0: {  	[tilespmem:$0x18EC0] =	vst v0  }
0xd1: {  	v0 =	vld.idx.msk [tilespmem:v61+s3+$0x0], $0xffff;
	_ =	sdelay $0x3  }
0xd2: {  	v63 =	vld [tilespmem:$0x18AF0]  }
0xd3: {  	[tilespmem:$0x18ED0] =	vst v0  }
0xd4: {  	v0 =	vld.idx.msk [tilespmem:v62+s3+$0x0], $0xffff;
	_ =	sdelay $0x4  }
0xd5: {  	[tilespmem:$0x18EE0] =	vst v0  }
0xd6: {  	v0 =	vld.idx.msk [tilespmem:v63+s3+$0x0], $0xffff;
	_ =	sdelay $0x3  }
0xd7: {  	p0 =	sne.s32 s6, $0x1  }
.Ltmp0:
0xd8: {  	[tilespmem:$0x18EF0] =	vst v0;
	(pc) =	sbr.rel @p0 .LBB2_1-.Ltmp0, $4  }
0xd9: {  	[hbm4b:s5+s8] =	stream.strided.scatter [tilespmem:s12], [sflag:$0x3], $0x400, s9, s8, $0x38;
	[tilespmem:$0x18F00] =	vst v63  }
0xda: {  	_ =	swait.ge [sflag:s13], $0x400  }
0xdb: {  	[sflag:s13] =	ssyncset.done $0x0  }
0xdc: {  	s6 =	sadd.s32 $0xFFFFFFFF, s6;
	[sflag:s13] =	ssyncadd.s32 $0xFFFFFC00  }
0xdd: {  	_ =	sfence.sel $0x180000  }
0xde: {  	[bflag:$0x0] =	sbarrier.arrive $0xFFFF  }
0xdf: {  	p0 =	sne.s32 s2, $0x0;
	_ =	strace $0x90000047  }
0xe0: {  	s0 =	sadd.s32 @!p0 $0x100000, s0;
	[bflag:$0x2] =	sbarrier.arrive $0xFFFF  }
0xe1: {  	[sflag:s0] =	ssyncadd.tile.s32 @!p0 $0x1;
	_ =	shalt  }
.Lfunc_end2:
_tile_overlayer_lowered:
.L_overlay_start_2:
0xe2: {  	(tag) =	ssettag $0x2  }
0xe3: {  	s0 =	rddreg [dreg:$0x0];
	s2 =	stileid.u32  }
0xe4: {  	s1 =	rddreg [dreg:$0x1];
	p0 =	sne.s32 s2, $0x0  }
0xe5: {  	s3 =	rddreg [dreg:$0x2];
	[bflag:$0x3] =	sbarrier.arrive $0xFFFF;
	s2 =	simm.s32 @!p0 $0x1C03  }
0xe6: {  	[timem:s3], [sflag:s2] =	dma.local @!p0 [hbm:s0], s1  }
0xe7: {  	s0 =	simm.s32 @!p0 $0x3  }
0xe8: {  	_ =	swait.ge @!p0 [sflag:s0], s1  }
0xe9: {  	s1 =	ssub.s32 @!p0 $0x0, s1;
	[sflag:s0] =	ssyncset.done @!p0 $0x0  }
0xea: {  	[sflag:s0] =	ssyncadd.s32 @!p0 s1  }
0xeb: {  	[bflag:$0x3] =	sbarrier.arrive $0xFFFF  }
0xec: {  	_ =	shalt  }

</sc_bundles>
